<compile_context>
chip_gen: v7x
topology: tpu7x:2x2x1
jax: 0.10.2.dev20260603
libtpu: 0.0.44.dev20260713+nightly
codegen_flags: <defaults>
</compile_context>

<pallas_src>
import jax
import jax.numpy as jnp
from jax import lax
from jax.experimental import pallas as pl
from jax.experimental.pallas import tpu as pltpu
from jax.experimental.pallas import tpu_sc as plsc

V = 100000
D = 300
DP = 384
N_TOK = 51200

NW = 32
PER_W = N_TOK // NW
CHUNK = 80
NCHUNK = PER_W // CHUNK

BT = 800
BB = 16


def _gather_body(gt_hbm, gtail_hbm, idx_hbm, outg_hbm, idx_v, bufg, semg):
    wid = lax.axis_index("s") * 2 + lax.axis_index("c")
    base = wid * PER_W
    pltpu.sync_copy(idx_hbm.at[pl.ds(base, PER_W)], idx_v)

    def step(c, carry):
        off = pl.multiple_of(c * CHUNK, 8)
        idx_c = idx_v.at[pl.ds(off, CHUNK)]
        cg = pltpu.async_copy(gt_hbm.at[:, pl.ds(0, 256)].at[idx_c],
                              bufg.at[:, pl.ds(0, 256)], semg)
        cg2 = pltpu.async_copy(gtail_hbm.at[idx_c],
                               bufg.at[:, pl.ds(256, 128)], semg)
        cg.wait()
        cg2.wait()
        pltpu.sync_copy(bufg, outg_hbm.at[pl.ds(base + off, CHUNK)])
        return carry

    lax.fori_loop(0, NCHUNK, step, 0)


def _sc_gather_one(table, tail, idx):
    mesh = plsc.VectorSubcoreMesh(core_axis_name="c", subcore_axis_name="s")
    f = pl.kernel(
        _gather_body,
        out_type=jax.ShapeDtypeStruct((N_TOK, DP), jnp.float32),
        mesh=mesh,
        scratch_types=[
            pltpu.VMEM((PER_W,), jnp.int32),
            pltpu.VMEM((CHUNK, DP), jnp.float32),
            pltpu.SemaphoreType.DMA,
        ],
    )
    return f(table, tail, idx)


def _combine_body(g_ref, f_ref, wg_ref, bg_ref, wf_ref, bf_ref,
                  wa1_ref, wa2_ref, out_ref):
    gh, gt = g_ref[:, :256], g_ref[:, 340:DP]
    fh, ft = f_ref[:, :256], f_ref[:, 340:DP]
    wg = wg_ref[...]
    wf = wf_ref[...]
    dn = (((1,), (1,)), ((), ()))
    g_out = (lax.dot_general(gh, wg[:, :256], dn,
                             preferred_element_type=jnp.float32)
             + lax.dot_general(gt, wg[:, 256:], dn,
                               preferred_element_type=jnp.float32)
             + bg_ref[...])
    f_out = (lax.dot_general(fh, wf[:, :256], dn,
                             preferred_element_type=jnp.float32)
             + lax.dot_general(ft, wf[:, 256:], dn,
                               preferred_element_type=jnp.float32)
             + bf_ref[...])
    wvec = lax.dot_general(wa2_ref[...], wa1_ref[...], (((1,), (0,)), ((), ())),
                           preferred_element_type=jnp.float32)
    diff = jnp.sum((g_out - f_out) * wvec, axis=1, keepdims=True)
    s = 1.0 / (1.0 + jnp.exp(-diff))
    res = jnp.maximum(s * g_out + (1.0 - s) * f_out, 0.0)
    out_ref[...] = res.reshape(out_ref.shape)


def _tc_combine(g_emb, f_emb, Wg, bg, Wf, bf, Wa1, Wa2, B, L):
    grid = (N_TOK // BT,)
    return pl.pallas_call(
        _combine_body,
        grid=grid,
        in_specs=[
            pl.BlockSpec((BT, DP), lambda i: (i, 0)),
            pl.BlockSpec((BT, DP), lambda i: (i, 0)),
            pl.BlockSpec((D, D), lambda i: (0, 0)),
            pl.BlockSpec((1, D), lambda i: (0, 0)),
            pl.BlockSpec((D, D), lambda i: (0, 0)),
            pl.BlockSpec((1, D), lambda i: (0, 0)),
            pl.BlockSpec((10, D), lambda i: (0, 0)),
            pl.BlockSpec((1, 10), lambda i: (0, 0)),
        ],
        out_specs=pl.BlockSpec((BB, L, D), lambda i: (i, 0, 0)),
        out_shape=jax.ShapeDtypeStruct((B, L, D), jnp.float32),
    )(g_emb, f_emb, Wg, bg, Wf, bf, Wa1, Wa2)


def kernel(word, glove_table, fasttext_table, Wg, bg, Wf, bf, Wa1, ba1, Wa2, ba2):
    B, L = word.shape
    idx = word.reshape(-1).astype(jnp.int32)
    gtail = lax.slice(glove_table, (0, 172), (V, D))
    ftail = lax.slice(fasttext_table, (0, 172), (V, D))
    g_emb = _sc_gather_one(glove_table, gtail, idx)
    f_emb = _sc_gather_one(fasttext_table, ftail, idx)
    return _tc_combine(g_emb, f_emb, Wg, bg.reshape(1, D), Wf, bf.reshape(1, D),
                       Wa1, Wa2, B, L)

# --- scband reference (transcript-rebuilt; emitter-appended) ---
"""Pipeline reference for scband-meta-embedding-26723286516391 (READ-ONLY COPY).

The authoritative reference and input builder live on the scoring server;
editing this copy changes nothing except your own understanding.
"""

import jax, jax.numpy as jnp
import numpy as np

V = 100000
DIM = 300
EMB = 300
B = 1024
L = 50

def setup_inputs(seed: int = 0) -> dict:
    key = jax.random.key(seed)
    ks = jax.random.split(key, 12)
    word = jax.random.randint(ks[0], (B, L), 0, V, dtype=jnp.int64) if jax.config.jax_enable_x64 else jax.random.randint(ks[0], (B, L), 0, V, dtype=jnp.int32)
    glove_table = jax.random.normal(ks[1], (V, DIM), dtype=jnp.float32) * 0.1
    glove_table = glove_table.at[0].set(0.0)  # padding_idx=0
    fasttext_table = jax.random.normal(ks[2], (V, DIM), dtype=jnp.float32) * 0.1
    fasttext_table = fasttext_table.at[0].set(0.0)  # padding_idx=0
    # proj_glove / proj_fasttext: Linear(300, 300), xavier_normal weights
    sc = float(np.sqrt(2.0 / (DIM + EMB)))
    Wg = jax.random.normal(ks[3], (EMB, DIM), dtype=jnp.float32) * sc
    bg = jnp.zeros((EMB,), dtype=jnp.float32)
    Wf = jax.random.normal(ks[4], (EMB, DIM), dtype=jnp.float32) * sc
    bf = jnp.zeros((EMB,), dtype=jnp.float32)
    # fasttext_get_alpha: Linear(300, 10) -> Linear(10, 1) (default torch init ~ U(-1/sqrt(fan_in), 1/sqrt(fan_in)))
    Wa1 = jax.random.uniform(ks[5], (10, EMB), dtype=jnp.float32, minval=-1.0/np.sqrt(EMB), maxval=1.0/np.sqrt(EMB))
    ba1 = jax.random.uniform(ks[6], (10,), dtype=jnp.float32, minval=-1.0/np.sqrt(EMB), maxval=1.0/np.sqrt(EMB))
    Wa2 = jax.random.uniform(ks[7], (1, 10), dtype=jnp.float32, minval=-1.0/np.sqrt(10), maxval=1.0/np.sqrt(10))
    ba2 = jax.random.uniform(ks[8], (1,), dtype=jnp.float32, minval=-1.0/np.sqrt(10), maxval=1.0/np.sqrt(10))
    return {
        'word': word,
        'glove_table': glove_table,
        'fasttext_table': fasttext_table,
        'Wg': Wg, 'bg': bg,
        'Wf': Wf, 'bf': bf,
        'Wa1': Wa1, 'ba1': ba1,
        'Wa2': Wa2, 'ba2': ba2,
    }


def reference(word, glove_table, fasttext_table, Wg, bg, Wf, bf, Wa1, ba1, Wa2, ba2):
    # embedding gathers (SparseCore-mappable)
    glove_emb = jnp.take(glove_table, word, axis=0)        # [B, L, 300]
    glove_out = glove_emb @ Wg.T + bg                      # [B, L, 300]
    fast_emb = jnp.take(fasttext_table, word, axis=0)      # [B, L, 300]
    fast_out = fast_emb @ Wf.T + bf                        # [B, L, 300]
    embed = jnp.stack([glove_out, fast_out], axis=2)       # [B, L, 2, 300]
    alpha = (embed @ Wa1.T + ba1) @ Wa2.T + ba2            # [B, L, 2, 1]
    alpha = jax.nn.softmax(alpha, axis=2)
    alpha = jnp.broadcast_to(alpha, embed.shape)           # expand_as
    out = (alpha * embed).sum(axis=2)                      # [B, L, 300]
    return jax.nn.relu(out)

if __name__ == "__main__":
    import jax
    _d = setup_inputs()
    print(jax.jit(kernel)(*tuple(_d.values())))

</pallas_src>

<mosaic_0001>
#map = affine_map<(d0, d1) -> (0, 0)>
#map1 = affine_map<(d0, d1) -> (0)>
module attributes {stable_mosaic.version = 14 : i64} {
  func.func @_gather_body(%arg0: i32, %arg1: i32, %arg2: memref<100000x300xf32, #tpu.memory_space<hbm>>, %arg3: memref<100000x128xf32, #tpu.memory_space<hbm>>, %arg4: memref<51200xi32, #tpu.memory_space<hbm>>, %arg5: memref<51200x384xf32, #tpu.memory_space<hbm>>, %arg6: memref<1600xi32, #tpu.memory_space<vmem>>, %arg7: memref<80x384xf32, #tpu.memory_space<vmem>>, %arg8: memref<!tpu.dma_semaphore, #tpu.memory_space<semaphore_mem>>) attributes {dimension_semantics = [#tpu.dimension_semantics<core_parallel>, #tpu.dimension_semantics<subcore_parallel>], iteration_bounds = array<i64: 2, 16>, scalar_prefetch = 0 : i64, scratch_operands = 3 : i64, tpu.core_type = #tpu.core_type<sc_vector_subcore>, window_params = [{transform_indices = #map}, {transform_indices = #map}, {transform_indices = #map1}, {transform_indices = #map}]} {
    %mul3A = arith.constant 2 : i32
    %mul3A_0 = arith.muli %arg1, %mul3A : i32
    %add3A = arith.addi %mul3A_0, %arg0 : i32
    %mul3A_1 = arith.constant 1600 : i32
    %mul3A_2 = arith.muli %add3A, %mul3A_1 : i32
    "tpu.region"() ({
      %run_scoped3A = tpu.sem_alloc : memref<!tpu.dma_semaphore, #tpu.memory_space<semaphore_mem>>
      %dma_start3A = tpu.memref_slice %arg4[%mul3A_2] : memref<51200xi32, #tpu.memory_space<hbm>> -> memref<1600xi32, #tpu.memory_space<hbm>>
      %dma_start3A_8 = tpu.memref_slice %arg4[%mul3A_2] : memref<51200xi32, #tpu.memory_space<hbm>> -> memref<1600xi32, #tpu.memory_space<hbm>>
      tpu.enqueue_dma source(%dma_start3A_8 : memref<1600xi32, #tpu.memory_space<hbm>>) target(%arg6 : memref<1600xi32, #tpu.memory_space<vmem>>) target_semaphore(%run_scoped3A : memref<!tpu.dma_semaphore, #tpu.memory_space<semaphore_mem>>)
      %dma_wait3A = tpu.memref_slice %arg4[%mul3A_2] : memref<51200xi32, #tpu.memory_space<hbm>> -> memref<1600xi32, #tpu.memory_space<hbm>>
      %dma_wait3A_9 = tpu.memref_slice %arg4[%mul3A_2] : memref<51200xi32, #tpu.memory_space<hbm>> -> memref<1600xi32, #tpu.memory_space<hbm>>
      tpu.wait_dma2 semaphore(%run_scoped3A : memref<!tpu.dma_semaphore, #tpu.memory_space<semaphore_mem>>) src(%dma_wait3A_9 : memref<1600xi32, #tpu.memory_space<hbm>>) dst(%arg6 : memref<1600xi32, #tpu.memory_space<vmem>>)
      tpu.yield
    }) : () -> ()
    %scan3A = arith.constant 0 : i32
    %scan3A_3 = arith.constant 0 : i32
    %scan3A_4 = arith.constant 20 : i32
    %scan3A_5 = arith.addi %scan3A_3, %scan3A_4 : i32
    %scan3A_6 = arith.constant 1 : i32
    scf.for %scan3A_8 = %scan3A_3 to %scan3A_5 step %scan3A_6  : i32 {
      %mul3A_9 = arith.constant 80 : i32
      %mul3A_10 = arith.muli %scan3A_8, %mul3A_9 : i32
      %multiple_of3A = tpu.assume_multiple %mul3A_10, 8 : i32
      %dma_start3A = arith.constant 0 : i32
      %dma_start3A_11 = arith.constant 0 : i32
      %dma_start3A_12 = tpu.memref_slice %arg7[%dma_start3A, %dma_start3A_11] : memref<80x384xf32, #tpu.memory_space<vmem>> -> memref<80x256xf32, #tpu.memory_space<vmem>>
      %dma_start3A_13 = tpu.memref_slice %arg6[%multiple_of3A] : memref<1600xi32, #tpu.memory_space<vmem>> -> memref<80xi32, #tpu.memory_space<vmem>>
      %dma_start3A_14 = arith.constant 0 : i32
      %dma_start3A_15 = arith.constant 0 : i32
      %dma_start3A_16 = tpu.memref_slice %arg2[%dma_start3A_14, %dma_start3A_15] : memref<100000x300xf32, #tpu.memory_space<hbm>> -> memref<100000x256xf32, #tpu.memory_space<hbm>>
      %dma_start3A_17 = arith.constant 0 : i32
      %dma_start3A_18 = arith.constant 0 : i32
      %dma_start3A_19 = tpu.memref_slice %dma_start3A_16[%dma_start3A_17, %dma_start3A_18] : memref<100000x256xf32, #tpu.memory_space<hbm>> -> memref<100000x256xf32, #tpu.memory_space<hbm>>
      tpu.enqueue_indirect_dma source(%dma_start3A_19 : memref<100000x256xf32, #tpu.memory_space<hbm>>) target(%dma_start3A_12 : memref<80x256xf32, #tpu.memory_space<vmem>>) offsets(%dma_start3A_13 : memref<80xi32, #tpu.memory_space<vmem>>) semaphore(%arg8 : memref<!tpu.dma_semaphore, #tpu.memory_space<semaphore_mem>>)
      %dma_start3A_20 = arith.constant 0 : i32
      %dma_start3A_21 = arith.constant 256 : i32
      %dma_start3A_22 = tpu.memref_slice %arg7[%dma_start3A_20, %dma_start3A_21] : memref<80x384xf32, #tpu.memory_space<vmem>> -> memref<80x128xf32, #tpu.memory_space<vmem>>
      %dma_start3A_23 = tpu.memref_slice %arg6[%multiple_of3A] : memref<1600xi32, #tpu.memory_space<vmem>> -> memref<80xi32, #tpu.memory_space<vmem>>
      %dma_start3A_24 = arith.constant 0 : i32
      %dma_start3A_25 = arith.constant 0 : i32
      %dma_start3A_26 = tpu.memref_slice %arg3[%dma_start3A_24, %dma_start3A_25] : memref<100000x128xf32, #tpu.memory_space<hbm>> -> memref<100000x128xf32, #tpu.memory_space<hbm>>
      tpu.enqueue_indirect_dma source(%dma_start3A_26 : memref<100000x128xf32, #tpu.memory_space<hbm>>) target(%dma_start3A_22 : memref<80x128xf32, #tpu.memory_space<vmem>>) offsets(%dma_start3A_23 : memref<80xi32, #tpu.memory_space<vmem>>) semaphore(%arg8 : memref<!tpu.dma_semaphore, #tpu.memory_space<semaphore_mem>>)
      %dma_wait3A = arith.constant 0 : i32
      %dma_wait3A_27 = arith.constant 0 : i32
      %dma_wait3A_28 = tpu.memref_slice %arg7[%dma_wait3A, %dma_wait3A_27] : memref<80x384xf32, #tpu.memory_space<vmem>> -> memref<80x256xf32, #tpu.memory_space<vmem>>
      %dma_wait3A_29 = tpu.memref_slice %arg6[%multiple_of3A] : memref<1600xi32, #tpu.memory_space<vmem>> -> memref<80xi32, #tpu.memory_space<vmem>>
      %dma_wait3A_30 = arith.constant 0 : i32
      %dma_wait3A_31 = arith.constant 0 : i32
      %dma_wait3A_32 = tpu.memref_slice %arg2[%dma_wait3A_30, %dma_wait3A_31] : memref<100000x300xf32, #tpu.memory_space<hbm>> -> memref<100000x256xf32, #tpu.memory_space<hbm>>
      %dma_wait3A_33 = arith.constant 0 : i32
      %dma_wait3A_34 = arith.constant 0 : i32
      %dma_wait3A_35 = tpu.memref_slice %dma_wait3A_32[%dma_wait3A_33, %dma_wait3A_34] : memref<100000x256xf32, #tpu.memory_space<hbm>> -> memref<100000x256xf32, #tpu.memory_space<hbm>>
      tpu.wait_indirect_dma semaphore(%arg8 : memref<!tpu.dma_semaphore, #tpu.memory_space<semaphore_mem>>) src(%dma_wait3A_35 : memref<100000x256xf32, #tpu.memory_space<hbm>>) dst(%dma_wait3A_28 : memref<80x256xf32, #tpu.memory_space<vmem>>)
      %dma_wait3A_36 = arith.constant 0 : i32
      %dma_wait3A_37 = arith.constant 256 : i32
      %dma_wait3A_38 = tpu.memref_slice %arg7[%dma_wait3A_36, %dma_wait3A_37] : memref<80x384xf32, #tpu.memory_space<vmem>> -> memref<80x128xf32, #tpu.memory_space<vmem>>
      %dma_wait3A_39 = tpu.memref_slice %arg6[%multiple_of3A] : memref<1600xi32, #tpu.memory_space<vmem>> -> memref<80xi32, #tpu.memory_space<vmem>>
      %dma_wait3A_40 = arith.constant 0 : i32
      %dma_wait3A_41 = arith.constant 0 : i32
      %dma_wait3A_42 = tpu.memref_slice %arg3[%dma_wait3A_40, %dma_wait3A_41] : memref<100000x128xf32, #tpu.memory_space<hbm>> -> memref<100000x128xf32, #tpu.memory_space<hbm>>
      tpu.wait_indirect_dma semaphore(%arg8 : memref<!tpu.dma_semaphore, #tpu.memory_space<semaphore_mem>>) src(%dma_wait3A_42 : memref<100000x128xf32, #tpu.memory_space<hbm>>) dst(%dma_wait3A_38 : memref<80x128xf32, #tpu.memory_space<vmem>>)
      %add3A_43 = arith.addi %mul3A_2, %multiple_of3A : i32
      "tpu.region"() ({
        %run_scoped3A = tpu.sem_alloc : memref<!tpu.dma_semaphore, #tpu.memory_space<semaphore_mem>>
        %dma_start3A_44 = arith.constant 0 : i32
        %dma_start3A_45 = tpu.memref_slice %arg5[%add3A_43, %dma_start3A_44] : memref<51200x384xf32, #tpu.memory_space<hbm>> -> memref<80x384xf32, #tpu.memory_space<hbm>>
        %dma_start3A_46 = arith.constant 0 : i32
        %dma_start3A_47 = tpu.memref_slice %arg5[%add3A_43, %dma_start3A_46] : memref<51200x384xf32, #tpu.memory_space<hbm>> -> memref<80x384xf32, #tpu.memory_space<hbm>>
        tpu.enqueue_dma source(%arg7 : memref<80x384xf32, #tpu.memory_space<vmem>>) target(%dma_start3A_47 : memref<80x384xf32, #tpu.memory_space<hbm>>) target_semaphore(%run_scoped3A : memref<!tpu.dma_semaphore, #tpu.memory_space<semaphore_mem>>)
        %dma_wait3A_48 = arith.constant 0 : i32
        %dma_wait3A_49 = tpu.memref_slice %arg5[%add3A_43, %dma_wait3A_48] : memref<51200x384xf32, #tpu.memory_space<hbm>> -> memref<80x384xf32, #tpu.memory_space<hbm>>
        %dma_wait3A_50 = arith.constant 0 : i32
        %dma_wait3A_51 = tpu.memref_slice %arg5[%add3A_43, %dma_wait3A_50] : memref<51200x384xf32, #tpu.memory_space<hbm>> -> memref<80x384xf32, #tpu.memory_space<hbm>>
        tpu.wait_dma2 semaphore(%run_scoped3A : memref<!tpu.dma_semaphore, #tpu.memory_space<semaphore_mem>>) src(%arg7 : memref<80x384xf32, #tpu.memory_space<vmem>>) dst(%dma_wait3A_51 : memref<80x384xf32, #tpu.memory_space<hbm>>)
        tpu.yield
      }) : () -> ()
    }
    %scan3A_7 = arith.constant 20 : i32
    return
  }
}

#map = affine_map<(d0, d1) -> (0, 0)>
#map1 = affine_map<(d0, d1) -> (0)>
module attributes {stable_mosaic.version = 14 : i64} {
  func.func @_gather_body(%arg0: i32, %arg1: i32, %arg2: memref<100000x300xf32, #tpu.memory_space<hbm>>, %arg3: memref<100000x128xf32, #tpu.memory_space<hbm>>, %arg4: memref<51200xi32, #tpu.memory_space<hbm>>, %arg5: memref<51200x384xf32, #tpu.memory_space<hbm>>, %arg6: memref<1600xi32, #tpu.memory_space<vmem>>, %arg7: memref<80x384xf32, #tpu.memory_space<vmem>>, %arg8: memref<!tpu.dma_semaphore, #tpu.memory_space<semaphore_mem>>) attributes {dimension_semantics = [#tpu.dimension_semantics<core_parallel>, #tpu.dimension_semantics<subcore_parallel>], iteration_bounds = array<i64: 2, 16>, scalar_prefetch = 0 : i64, scratch_operands = 3 : i64, tpu.core_type = #tpu.core_type<sc_vector_subcore>, window_params = [{transform_indices = #map}, {transform_indices = #map}, {transform_indices = #map1}, {transform_indices = #map}]} {
    %mul3A = arith.constant 2 : i32
    %mul3A_0 = arith.muli %arg1, %mul3A : i32
    %add3A = arith.addi %mul3A_0, %arg0 : i32
    %mul3A_1 = arith.constant 1600 : i32
    %mul3A_2 = arith.muli %add3A, %mul3A_1 : i32
    "tpu.region"() ({
      %run_scoped3A = tpu.sem_alloc : memref<!tpu.dma_semaphore, #tpu.memory_space<semaphore_mem>>
      %dma_start3A = tpu.memref_slice %arg4[%mul3A_2] : memref<51200xi32, #tpu.memory_space<hbm>> -> memref<1600xi32, #tpu.memory_space<hbm>>
      %dma_start3A_8 = tpu.memref_slice %arg4[%mul3A_2] : memref<51200xi32, #tpu.memory_space<hbm>> -> memref<1600xi32, #tpu.memory_space<hbm>>
      tpu.enqueue_dma source(%dma_start3A_8 : memref<1600xi32, #tpu.memory_space<hbm>>) target(%arg6 : memref<1600xi32, #tpu.memory_space<vmem>>) target_semaphore(%run_scoped3A : memref<!tpu.dma_semaphore, #tpu.memory_space<semaphore_mem>>)
      %dma_wait3A = tpu.memref_slice %arg4[%mul3A_2] : memref<51200xi32, #tpu.memory_space<hbm>> -> memref<1600xi32, #tpu.memory_space<hbm>>
      %dma_wait3A_9 = tpu.memref_slice %arg4[%mul3A_2] : memref<51200xi32, #tpu.memory_space<hbm>> -> memref<1600xi32, #tpu.memory_space<hbm>>
      tpu.wait_dma2 semaphore(%run_scoped3A : memref<!tpu.dma_semaphore, #tpu.memory_space<semaphore_mem>>) src(%dma_wait3A_9 : memref<1600xi32, #tpu.memory_space<hbm>>) dst(%arg6 : memref<1600xi32, #tpu.memory_space<vmem>>)
      tpu.yield
    }) : () -> ()
    %scan3A = arith.constant 0 : i32
    %scan3A_3 = arith.constant 0 : i32
    %scan3A_4 = arith.constant 20 : i32
    %scan3A_5 = arith.addi %scan3A_3, %scan3A_4 : i32
    %scan3A_6 = arith.constant 1 : i32
    scf.for %scan3A_8 = %scan3A_3 to %scan3A_5 step %scan3A_6  : i32 {
      %mul3A_9 = arith.constant 80 : i32
      %mul3A_10 = arith.muli %scan3A_8, %mul3A_9 : i32
      %multiple_of3A = tpu.assume_multiple %mul3A_10, 8 : i32
      %dma_start3A = arith.constant 0 : i32
      %dma_start3A_11 = arith.constant 0 : i32
      %dma_start3A_12 = tpu.memref_slice %arg7[%dma_start3A, %dma_start3A_11] : memref<80x384xf32, #tpu.memory_space<vmem>> -> memref<80x256xf32, #tpu.memory_space<vmem>>
      %dma_start3A_13 = tpu.memref_slice %arg6[%multiple_of3A] : memref<1600xi32, #tpu.memory_space<vmem>> -> memref<80xi32, #tpu.memory_space<vmem>>
      %dma_start3A_14 = arith.constant 0 : i32
      %dma_start3A_15 = arith.constant 0 : i32
      %dma_start3A_16 = tpu.memref_slice %arg2[%dma_start3A_14, %dma_start3A_15] : memref<100000x300xf32, #tpu.memory_space<hbm>> -> memref<100000x256xf32, #tpu.memory_space<hbm>>
      %dma_start3A_17 = arith.constant 0 : i32
      %dma_start3A_18 = arith.constant 0 : i32
      %dma_start3A_19 = tpu.memref_slice %dma_start3A_16[%dma_start3A_17, %dma_start3A_18] : memref<100000x256xf32, #tpu.memory_space<hbm>> -> memref<100000x256xf32, #tpu.memory_space<hbm>>
      tpu.enqueue_indirect_dma source(%dma_start3A_19 : memref<100000x256xf32, #tpu.memory_space<hbm>>) target(%dma_start3A_12 : memref<80x256xf32, #tpu.memory_space<vmem>>) offsets(%dma_start3A_13 : memref<80xi32, #tpu.memory_space<vmem>>) semaphore(%arg8 : memref<!tpu.dma_semaphore, #tpu.memory_space<semaphore_mem>>)
      %dma_start3A_20 = arith.constant 0 : i32
      %dma_start3A_21 = arith.constant 256 : i32
      %dma_start3A_22 = tpu.memref_slice %arg7[%dma_start3A_20, %dma_start3A_21] : memref<80x384xf32, #tpu.memory_space<vmem>> -> memref<80x128xf32, #tpu.memory_space<vmem>>
      %dma_start3A_23 = tpu.memref_slice %arg6[%multiple_of3A] : memref<1600xi32, #tpu.memory_space<vmem>> -> memref<80xi32, #tpu.memory_space<vmem>>
      %dma_start3A_24 = arith.constant 0 : i32
      %dma_start3A_25 = arith.constant 0 : i32
      %dma_start3A_26 = tpu.memref_slice %arg3[%dma_start3A_24, %dma_start3A_25] : memref<100000x128xf32, #tpu.memory_space<hbm>> -> memref<100000x128xf32, #tpu.memory_space<hbm>>
      tpu.enqueue_indirect_dma source(%dma_start3A_26 : memref<100000x128xf32, #tpu.memory_space<hbm>>) target(%dma_start3A_22 : memref<80x128xf32, #tpu.memory_space<vmem>>) offsets(%dma_start3A_23 : memref<80xi32, #tpu.memory_space<vmem>>) semaphore(%arg8 : memref<!tpu.dma_semaphore, #tpu.memory_space<semaphore_mem>>)
      %dma_wait3A = arith.constant 0 : i32
      %dma_wait3A_27 = arith.constant 0 : i32
      %dma_wait3A_28 = tpu.memref_slice %arg7[%dma_wait3A, %dma_wait3A_27] : memref<80x384xf32, #tpu.memory_space<vmem>> -> memref<80x256xf32, #tpu.memory_space<vmem>>
      %dma_wait3A_29 = tpu.memref_slice %arg6[%multiple_of3A] : memref<1600xi32, #tpu.memory_space<vmem>> -> memref<80xi32, #tpu.memory_space<vmem>>
      %dma_wait3A_30 = arith.constant 0 : i32
      %dma_wait3A_31 = arith.constant 0 : i32
      %dma_wait3A_32 = tpu.memref_slice %arg2[%dma_wait3A_30, %dma_wait3A_31] : memref<100000x300xf32, #tpu.memory_space<hbm>> -> memref<100000x256xf32, #tpu.memory_space<hbm>>
      %dma_wait3A_33 = arith.constant 0 : i32
      %dma_wait3A_34 = arith.constant 0 : i32
      %dma_wait3A_35 = tpu.memref_slice %dma_wait3A_32[%dma_wait3A_33, %dma_wait3A_34] : memref<100000x256xf32, #tpu.memory_space<hbm>> -> memref<100000x256xf32, #tpu.memory_space<hbm>>
      tpu.wait_indirect_dma semaphore(%arg8 : memref<!tpu.dma_semaphore, #tpu.memory_space<semaphore_mem>>) src(%dma_wait3A_35 : memref<100000x256xf32, #tpu.memory_space<hbm>>) dst(%dma_wait3A_28 : memref<80x256xf32, #tpu.memory_space<vmem>>)
      %dma_wait3A_36 = arith.constant 0 : i32
      %dma_wait3A_37 = arith.constant 256 : i32
      %dma_wait3A_38 = tpu.memref_slice %arg7[%dma_wait3A_36, %dma_wait3A_37] : memref<80x384xf32, #tpu.memory_space<vmem>> -> memref<80x128xf32, #tpu.memory_space<vmem>>
      %dma_wait3A_39 = tpu.memref_slice %arg6[%multiple_of3A] : memref<1600xi32, #tpu.memory_space<vmem>> -> memref<80xi32, #tpu.memory_space<vmem>>
      %dma_wait3A_40 = arith.constant 0 : i32
      %dma_wait3A_41 = arith.constant 0 : i32
      %dma_wait3A_42 = tpu.memref_slice %arg3[%dma_wait3A_40, %dma_wait3A_41] : memref<100000x128xf32, #tpu.memory_space<hbm>> -> memref<100000x128xf32, #tpu.memory_space<hbm>>
      tpu.wait_indirect_dma semaphore(%arg8 : memref<!tpu.dma_semaphore, #tpu.memory_space<semaphore_mem>>) src(%dma_wait3A_42 : memref<100000x128xf32, #tpu.memory_space<hbm>>) dst(%dma_wait3A_38 : memref<80x128xf32, #tpu.memory_space<vmem>>)
      %add3A_43 = arith.addi %mul3A_2, %multiple_of3A : i32
      "tpu.region"() ({
        %run_scoped3A = tpu.sem_alloc : memref<!tpu.dma_semaphore, #tpu.memory_space<semaphore_mem>>
        %dma_start3A_44 = arith.constant 0 : i32
        %dma_start3A_45 = tpu.memref_slice %arg5[%add3A_43, %dma_start3A_44] : memref<51200x384xf32, #tpu.memory_space<hbm>> -> memref<80x384xf32, #tpu.memory_space<hbm>>
        %dma_start3A_46 = arith.constant 0 : i32
        %dma_start3A_47 = tpu.memref_slice %arg5[%add3A_43, %dma_start3A_46] : memref<51200x384xf32, #tpu.memory_space<hbm>> -> memref<80x384xf32, #tpu.memory_space<hbm>>
        tpu.enqueue_dma source(%arg7 : memref<80x384xf32, #tpu.memory_space<vmem>>) target(%dma_start3A_47 : memref<80x384xf32, #tpu.memory_space<hbm>>) target_semaphore(%run_scoped3A : memref<!tpu.dma_semaphore, #tpu.memory_space<semaphore_mem>>)
        %dma_wait3A_48 = arith.constant 0 : i32
        %dma_wait3A_49 = tpu.memref_slice %arg5[%add3A_43, %dma_wait3A_48] : memref<51200x384xf32, #tpu.memory_space<hbm>> -> memref<80x384xf32, #tpu.memory_space<hbm>>
        %dma_wait3A_50 = arith.constant 0 : i32
        %dma_wait3A_51 = tpu.memref_slice %arg5[%add3A_43, %dma_wait3A_50] : memref<51200x384xf32, #tpu.memory_space<hbm>> -> memref<80x384xf32, #tpu.memory_space<hbm>>
        tpu.wait_dma2 semaphore(%run_scoped3A : memref<!tpu.dma_semaphore, #tpu.memory_space<semaphore_mem>>) src(%arg7 : memref<80x384xf32, #tpu.memory_space<vmem>>) dst(%dma_wait3A_51 : memref<80x384xf32, #tpu.memory_space<hbm>>)
        tpu.yield
      }) : () -> ()
    }
    %scan3A_7 = arith.constant 20 : i32
    return
  }
}

module attributes {stable_mosaic.version = 14 : i64} {
  func.func @_combine_body(%arg0: i32, %arg1: memref<800x384xf32, #tpu.memory_space<vmem>>, %arg2: memref<800x384xf32, #tpu.memory_space<vmem>>, %arg3: memref<300x300xf32, #tpu.memory_space<vmem>>, %arg4: memref<1x300xf32, #tpu.memory_space<vmem>>, %arg5: memref<300x300xf32, #tpu.memory_space<vmem>>, %arg6: memref<1x300xf32, #tpu.memory_space<vmem>>, %arg7: memref<10x300xf32, #tpu.memory_space<vmem>>, %arg8: memref<1x10xf32, #tpu.memory_space<vmem>>, %arg9: memref<16x50x300xf32, #tpu.memory_space<vmem>>) attributes {dimension_semantics = [#tpu.dimension_semantics<arbitrary>], iteration_bounds = array<i64: 64>, scalar_prefetch = 0 : i64, scratch_operands = 0 : i64, tpu.core_type = #tpu.core_type<tc>, window_params = [{transform_indices = @transform_0, window_bounds = array<i64: 800, 384>}, {transform_indices = @transform_1, window_bounds = array<i64: 800, 384>}, {pipeline_mode = #tpu.pipeline_mode<synchronous>, transform_indices = @transform_2, window_bounds = array<i64: 300, 300>}, {pipeline_mode = #tpu.pipeline_mode<synchronous>, transform_indices = @transform_3, window_bounds = array<i64: 1, 300>}, {pipeline_mode = #tpu.pipeline_mode<synchronous>, transform_indices = @transform_4, window_bounds = array<i64: 300, 300>}, {pipeline_mode = #tpu.pipeline_mode<synchronous>, transform_indices = @transform_5, window_bounds = array<i64: 1, 300>}, {pipeline_mode = #tpu.pipeline_mode<synchronous>, transform_indices = @transform_6, window_bounds = array<i64: 10, 300>}, {pipeline_mode = #tpu.pipeline_mode<synchronous>, transform_indices = @transform_7, window_bounds = array<i64: 1, 10>}, {transform_indices = @transform_8, window_bounds = array<i64: 16, 50, 300>}]} {
    %get3A = arith.constant 0 : index
    %get3A_0 = arith.constant 0 : index
    %get3A_1 = vector.load %arg1[%get3A, %get3A_0] : memref<800x384xf32, #tpu.memory_space<vmem>>, vector<800x256xf32>
    %get3A_2 = arith.constant 0 : index
    %get3A_3 = arith.constant 340 : index
    %get3A_4 = vector.load %arg1[%get3A_2, %get3A_3] : memref<800x384xf32, #tpu.memory_space<vmem>>, vector<800x44xf32>
    %get3A_5 = arith.constant 0 : index
    %get3A_6 = arith.constant 0 : index
    %get3A_7 = vector.load %arg2[%get3A_5, %get3A_6] : memref<800x384xf32, #tpu.memory_space<vmem>>, vector<800x256xf32>
    %get3A_8 = arith.constant 0 : index
    %get3A_9 = arith.constant 340 : index
    %get3A_10 = vector.load %arg2[%get3A_8, %get3A_9] : memref<800x384xf32, #tpu.memory_space<vmem>>, vector<800x44xf32>
    %get3A_11 = arith.constant 0 : index
    %get3A_12 = arith.constant 0 : index
    %get3A_13 = vector.load %arg3[%get3A_11, %get3A_12] : memref<300x300xf32, #tpu.memory_space<vmem>>, vector<300x300xf32>
    %get3A_14 = arith.constant 0 : index
    %get3A_15 = arith.constant 0 : index
    %get3A_16 = vector.load %arg5[%get3A_14, %get3A_15] : memref<300x300xf32, #tpu.memory_space<vmem>>, vector<300x300xf32>
    %slice3A = vector.extract_strided_slice %get3A_13 {offsets = [0, 0], sizes = [300, 256], strides = [1, 1]} : vector<300x300xf32> to vector<300x256xf32>
    %dot_general3A = arith.constant dense<0.000000e+00> : vector<800x300xf32>
    %dot_general3A_17 = tpu.matmul %get3A_1, %slice3A, %dot_general3A {dimension_numbers = #tpu.dot_dimension_numbers<[1], [1], [0], [0], [0, 0, 1, 0], [], []>, transpose_lhs_hint = false} : vector<800x256xf32>, vector<300x256xf32>, vector<800x300xf32> -> vector<800x300xf32>
    %slice3A_18 = vector.extract_strided_slice %get3A_13 {offsets = [0, 256], sizes = [300, 44], strides = [1, 1]} : vector<300x300xf32> to vector<300x44xf32>
    %dot_general3A_19 = arith.constant dense<0.000000e+00> : vector<800x300xf32>
    %dot_general3A_20 = tpu.matmul %get3A_4, %slice3A_18, %dot_general3A_19 {dimension_numbers = #tpu.dot_dimension_numbers<[1], [1], [0], [0], [0, 0, 1, 0], [], []>, transpose_lhs_hint = false} : vector<800x44xf32>, vector<300x44xf32>, vector<800x300xf32> -> vector<800x300xf32>
    %add3A = arith.addf %dot_general3A_17, %dot_general3A_20 : vector<800x300xf32>
    %get3A_21 = arith.constant 0 : index
    %get3A_22 = arith.constant 0 : index
    %get3A_23 = vector.load %arg4[%get3A_21, %get3A_22] : memref<1x300xf32, #tpu.memory_space<vmem>>, vector<1x300xf32>
    %add3A_24 = vector.broadcast %get3A_23 : vector<1x300xf32> to vector<800x300xf32>
    %add3A_25 = arith.addf %add3A, %add3A_24 : vector<800x300xf32>
    %slice3A_26 = vector.extract_strided_slice %get3A_16 {offsets = [0, 0], sizes = [300, 256], strides = [1, 1]} : vector<300x300xf32> to vector<300x256xf32>
    %dot_general3A_27 = arith.constant dense<0.000000e+00> : vector<800x300xf32>
    %dot_general3A_28 = tpu.matmul %get3A_7, %slice3A_26, %dot_general3A_27 {dimension_numbers = #tpu.dot_dimension_numbers<[1], [1], [0], [0], [0, 0, 1, 0], [], []>, transpose_lhs_hint = false} : vector<800x256xf32>, vector<300x256xf32>, vector<800x300xf32> -> vector<800x300xf32>
    %slice3A_29 = vector.extract_strided_slice %get3A_16 {offsets = [0, 256], sizes = [300, 44], strides = [1, 1]} : vector<300x300xf32> to vector<300x44xf32>
    %dot_general3A_30 = arith.constant dense<0.000000e+00> : vector<800x300xf32>
    %dot_general3A_31 = tpu.matmul %get3A_10, %slice3A_29, %dot_general3A_30 {dimension_numbers = #tpu.dot_dimension_numbers<[1], [1], [0], [0], [0, 0, 1, 0], [], []>, transpose_lhs_hint = false} : vector<800x44xf32>, vector<300x44xf32>, vector<800x300xf32> -> vector<800x300xf32>
    %add3A_32 = arith.addf %dot_general3A_28, %dot_general3A_31 : vector<800x300xf32>
    %get3A_33 = arith.constant 0 : index
    %get3A_34 = arith.constant 0 : index
    %get3A_35 = vector.load %arg6[%get3A_33, %get3A_34] : memref<1x300xf32, #tpu.memory_space<vmem>>, vector<1x300xf32>
    %add3A_36 = vector.broadcast %get3A_35 : vector<1x300xf32> to vector<800x300xf32>
    %add3A_37 = arith.addf %add3A_32, %add3A_36 : vector<800x300xf32>
    %get3A_38 = arith.constant 0 : index
    %get3A_39 = arith.constant 0 : index
    %get3A_40 = vector.load %arg8[%get3A_38, %get3A_39] : memref<1x10xf32, #tpu.memory_space<vmem>>, vector<1x10xf32>
    %get3A_41 = arith.constant 0 : index
    %get3A_42 = arith.constant 0 : index
    %get3A_43 = vector.load %arg7[%get3A_41, %get3A_42] : memref<10x300xf32, #tpu.memory_space<vmem>>, vector<10x300xf32>
    %dot_general3A_44 = arith.constant dense<0.000000e+00> : vector<1x300xf32>
    %dot_general3A_45 = tpu.matmul %get3A_40, %get3A_43, %dot_general3A_44 {dimension_numbers = #tpu.dot_dimension_numbers<[1], [0], [0], [1], [0, 0, 1, 1], [], []>, transpose_lhs_hint = false} : vector<1x10xf32>, vector<10x300xf32>, vector<1x300xf32> -> vector<1x300xf32>
    %sub3A = arith.subf %add3A_25, %add3A_37 : vector<800x300xf32>
    %mul3A = vector.broadcast %dot_general3A_45 : vector<1x300xf32> to vector<800x300xf32>
    %mul3A_46 = arith.mulf %sub3A, %mul3A : vector<800x300xf32>
    %reduce_sum3A = arith.constant dense<0.000000e+00> : vector<800xf32>
    %reduce_sum3A_47 = vector.multi_reduction <add>, %mul3A_46, %reduce_sum3A [1] : vector<800x300xf32> to vector<800xf32>
    %broadcast_in_dim3A = vector.shape_cast %reduce_sum3A_47 : vector<800xf32> to vector<800x1xf32>
    %neg3A = arith.constant 0.000000e+00 : f32
    %neg3A_48 = vector.broadcast %neg3A : f32 to vector<800x1xf32>
    %neg3A_49 = arith.subf %neg3A_48, %broadcast_in_dim3A : vector<800x1xf32>
    %exp3A = math.exp %neg3A_49 : vector<800x1xf32>
    %add3A_50 = arith.constant 1.000000e+00 : f32
    %add3A_51 = vector.broadcast %add3A_50 : f32 to vector<800x1xf32>
    %add3A_52 = arith.addf %add3A_51, %exp3A : vector<800x1xf32>
    %div3A = arith.constant 1.000000e+00 : f32
    %div3A_53 = vector.broadcast %div3A : f32 to vector<800x1xf32>
    %div3A_54 = arith.divf %div3A_53, %add3A_52 : vector<800x1xf32>
    %mul3A_55 = vector.broadcast %div3A_54 : vector<800x1xf32> to vector<800x300xf32>
    %mul3A_56 = arith.mulf %mul3A_55, %add3A_25 : vector<800x300xf32>
    %sub3A_57 = arith.constant 1.000000e+00 : f32
    %sub3A_58 = vector.broadcast %sub3A_57 : f32 to vector<800x1xf32>
    %sub3A_59 = arith.subf %sub3A_58, %div3A_54 : vector<800x1xf32>
    %mul3A_60 = vector.broadcast %sub3A_59 : vector<800x1xf32> to vector<800x300xf32>
    %mul3A_61 = arith.mulf %mul3A_60, %add3A_37 : vector<800x300xf32>
    %add3A_62 = arith.addf %mul3A_56, %mul3A_61 : vector<800x300xf32>
    %max3A = arith.constant 0.000000e+00 : f32
    %max3A_63 = vector.broadcast %max3A : f32 to vector<800x300xf32>
    %max3A_64 = arith.maximumf %add3A_62, %max3A_63 : vector<800x300xf32>
    %reshape3A = vector.shape_cast %max3A_64 : vector<800x300xf32> to vector<16x50x300xf32>
    %swap3A = arith.constant 0 : index
    %swap3A_65 = arith.constant 0 : index
    %swap3A_66 = arith.constant 0 : index
    %swap3A_67 = vector.load %arg9[%swap3A, %swap3A_65, %swap3A_66] : memref<16x50x300xf32, #tpu.memory_space<vmem>>, vector<16x50x300xf32>
    tpu.vector_store %arg9[%swap3A, %swap3A_65, %swap3A_66], %reshape3A {strides = array<i32>} : memref<16x50x300xf32, #tpu.memory_space<vmem>>, vector<16x50x300xf32>,
    return
  }
  func.func @transform_0(%arg0: i32) -> (i32, i32) {
    %c0_i32 = arith.constant 0 : i32
    %c0_i32_0 = arith.constant 0 : i32
    return %arg0, %c0_i32 : i32, i32
  }
  func.func @transform_1(%arg0: i32) -> (i32, i32) {
    %c0_i32 = arith.constant 0 : i32
    %c0_i32_0 = arith.constant 0 : i32
    return %arg0, %c0_i32 : i32, i32
  }
  func.func @transform_2(%arg0: i32) -> (i32, i32) {
    %c0_i32 = arith.constant 0 : i32
    %c0_i32_0 = arith.constant 0 : i32
    %c0_i32_1 = arith.constant 0 : i32
    return %c0_i32, %c0_i32_0 : i32, i32
  }
  func.func @transform_3(%arg0: i32) -> (i32, i32) {
    %c0_i32 = arith.constant 0 : i32
    %c0_i32_0 = arith.constant 0 : i32
    %c0_i32_1 = arith.constant 0 : i32
    return %c0_i32, %c0_i32_0 : i32, i32
  }
  func.func @transform_4(%arg0: i32) -> (i32, i32) {
    %c0_i32 = arith.constant 0 : i32
    %c0_i32_0 = arith.constant 0 : i32
    %c0_i32_1 = arith.constant 0 : i32
    return %c0_i32, %c0_i32_0 : i32, i32
  }
  func.func @transform_5(%arg0: i32) -> (i32, i32) {
    %c0_i32 = arith.constant 0 : i32
    %c0_i32_0 = arith.constant 0 : i32
    %c0_i32_1 = arith.constant 0 : i32
    return %c0_i32, %c0_i32_0 : i32, i32
  }
  func.func @transform_6(%arg0: i32) -> (i32, i32) {
    %c0_i32 = arith.constant 0 : i32
    %c0_i32_0 = arith.constant 0 : i32
    %c0_i32_1 = arith.constant 0 : i32
    return %c0_i32, %c0_i32_0 : i32, i32
  }
  func.func @transform_7(%arg0: i32) -> (i32, i32) {
    %c0_i32 = arith.constant 0 : i32
    %c0_i32_0 = arith.constant 0 : i32
    %c0_i32_1 = arith.constant 0 : i32
    return %c0_i32, %c0_i32_0 : i32, i32
  }
  func.func @transform_8(%arg0: i32) -> (i32, i32, i32) {
    %c0_i32 = arith.constant 0 : i32
    %c0_i32_0 = arith.constant 0 : i32
    %c0_i32_1 = arith.constant 0 : i32
    return %arg0, %c0_i32, %c0_i32_0 : i32, i32, i32
  }
}

</mosaic_0001>

<sc_bundles>
// kernel: kernel.5.cloned.1.call-start
scs
__scs_entry_jumppad:
0x0: {  	(pc) =	sbr.rel $0x88, $3  }
0x1: {  	(tag) =	ssettag $0x0;
	lr =	simm.s32 $0x1  }
0x2: {  	[smem:$0x3F98] =	sst lr;
	_ =	strace $0xD0000000  }
0x3: {  	_ = 	snop  }
0x4: {  	_ = 	snop  }
0x5: {  	_ = 	snop  }
0x6: {  	_ = 	snop  }
0x7: {  	_ = 	snop  }
__scs_overlays_trampoline_lowered:
0x8: {  	[smem:$0x3FA7] =	sst s0  }
0x9: {  	[smem:$0x3FA8] =	sst s1  }
0xa: {  	[smem:$0x3FA9] =	sst s2  }
0xb: {  	[smem:$0x3FAA] =	sst s3  }
0xc: {  	[smem:$0x3FAB] =	sst s4  }
0xd: {  	[smem:$0x3FAC] =	sst s5  }
0xe: {  	[smem:$0x3FAD] =	sst s6  }
0xf: {  	[smem:$0x3FAE] =	sst s7  }
0x10: {  	[smem:$0x3FAF] =	sst s8  }
0x11: {  	[smem:$0x3FB0] =	sst s9;
	s0 =	simm.s32 @!p0 $0x0  }
0x12: {  	s1 =	sld [smem:$0x3F96];
	s0 =	simm.s32 @p0 $0x1  }
0x13: {  	[smem:$0x3FB1] =	sst s0;
	s0 =	simm.s32 @!p1 $0x0  }
0x14: {  	s2 =	sld [smem:$0x3F95];
	s0 =	simm.s32 @p1 $0x1  }
0x15: {  	[smem:$0x3FB2] =	sst s0;
	s0 =	simm.s32 @!p2 $0x0  }
0x16: {  	s3 =	sld [smem:$0x3FDB];
	s0 =	simm.s32 @p2 $0x1  }
0x17: {  	s4 =	simm.s32 $0x1BF5;
	[smem:$0x3FB4] =	sst s0  }
0x18: {  	s0 =	sld [smem:$0x3F97];
	_ =	swait.ge [sflag:s4], $0x0  }
0x19: {  	s7 =	sld [smem:$0x3F98]  }
0x1a: {  	s8 =	sadd.s32 $0xFFFFE003, lr  }
0x1b: {  	s9 =	sadd.s32 $0xFFFFFEF7, lr;
	s5 =	simm.s32 $0xFFFFFFFF;
	p2 =	slt.u32 s8, $0xFFFFF086  }
0x1c: {  	p1 =	slt.u32 s9, $0xF7A;
	s5 =	simm.s32 @!p2 $0x0  }
0x1d: {  	s5 =	simm.s32 @p1 $0x1;
	p0 =	seq.s32 s7, s2  }
0x1e: {  	s7 =	smul.u32 @!p0 $0xF7A, s2;
	p2 =	seq.s32 @!p0 s5, $0x0  }
0x1f: {  	s9 =	smul.u32 $0xF7A, s1;
	s8 =	simm.s32 @!p0 $0x1BF5;
	p2 =	por !p2, p0  }
0x20: {  	[sflag:s8] =	ssyncset.s32 @!p0 $0xFFFFF086;
	s6 =	sadd.s32 @!p0 s3, s7;
	s7 =	simm.s32 @!p0 $0x108  }
0x21: {  	s3 =	sadd.s32 s3, s9;
	s6 =	sadd.s32 @!p0 $0x88, s6;
	s7 =	simm.s32 @p2 $0x1082  }
0x22: {  	[simem:s7], [sflag:s8] =	dma.local @!p0 [hbm:s6], $0xF7A  }
0x23: {  	s9 =	sor.u32 $0xD0000000, s2;
	s6 =	simm.s32 $0x108;
	_ =	swait.ge @!p0 [sflag:s8], $0x0  }
0x24: {  	s3 =	sadd.s32 $0x88, s3;
	s6 =	simm.s32 @!p1 $0x1082;
	[sflag:s4] =	ssyncset.s32 $0xFFFFF086  }
0x25: {  	[simem:s6], [sflag:s4] =	dma.local [hbm:s3], $0xF7A  }
0x26: {  	[smem:$0x3F98] =	sst s1;
	(tag) =	ssettag s2;
	_ =	strace s9  }
0x27: {  	s1 =	sld [smem:$0x3FA8]  }
0x28: {  	s2 =	sld [smem:$0x3FA9]  }
0x29: {  	s4 =	sld [smem:$0x3FAB]  }
0x2a: {  	p0 =	seq.s32 s5, $0x0;
	s5 =	sld [smem:$0x3FAC]  }
0x2b: {  	s6 =	sld [smem:$0x3FAD]  }
0x2c: {  	s7 =	sld [smem:$0x3FAE]  }
0x2d: {  	s3 =	simm.s32 $0x108;
	s8 =	sld [smem:$0x3FAF]  }
0x2e: {  	s3 =	simm.s32 @!p0 $0x1082;
	s9 =	sld [smem:$0x3FB0]  }
0x2f: {  	lr =	sadd.s32 s0, s3;
	s0 =	sld [smem:$0x3FA7]  }
0x30: {  	s3 =	sld [smem:$0x3FAA]  }
0x31: {  	[smem:$0x3FB3] =	sst s10  }
0x32: {  	s10 =	sld [smem:$0x3FB1];
	_ =	sdelay $0x3  }
0x33: {  	p0 =	seq.s32 s10, $0x1;
	s10 =	sld [smem:$0x3FB3];
	_ =	sdelay $0x3  }
0x34: {  	[smem:$0x3FB3] =	sst s10  }
0x35: {  	s10 =	sld [smem:$0x3FB2];
	_ =	sdelay $0x3  }
0x36: {  	p1 =	seq.s32 s10, $0x1;
	s10 =	sld [smem:$0x3FB3];
	_ =	sdelay $0x3  }
0x37: {  	[smem:$0x3FB3] =	sst s10  }
0x38: {  	s10 =	sld [smem:$0x3FB4]  }
0x39: {  	_ = 	snop;
	(pc) =	sbr.ind lr, $3  }
0x3a: {  	_ = 	snop  }
0x3b: {  	_ = 	snop  }
0x3c: {  	p2 =	seq.s32 s10, $0x1;
	s10 =	sld [smem:$0x3FB3]  }
0x3d: {  	_ =	shalt  }
0x3e: {  	_ =	shalt  }
0x3f: {  	_ =	shalt  }
0x40: {  	_ =	shalt  }
0x41: {  	_ =	shalt  }
0x42: {  	_ =	shalt  }
0x43: {  	_ =	shalt  }
0x44: {  	_ =	shalt  }
0x45: {  	_ =	shalt  }
0x46: {  	_ =	shalt  }
0x47: {  	_ =	shalt  }
0x48: {  	_ =	shalt  }
0x49: {  	_ =	shalt  }
0x4a: {  	_ =	shalt  }
0x4b: {  	_ =	shalt  }
0x4c: {  	_ =	shalt  }
0x4d: {  	_ =	shalt  }
0x4e: {  	_ =	shalt  }
0x4f: {  	_ =	shalt  }
0x50: {  	_ =	shalt  }
0x51: {  	_ =	shalt  }
0x52: {  	_ =	shalt  }
0x53: {  	_ =	shalt  }
0x54: {  	_ =	shalt  }
0x55: {  	_ =	shalt  }
0x56: {  	_ =	shalt  }
0x57: {  	_ =	shalt  }
0x58: {  	_ =	shalt  }
0x59: {  	_ =	shalt  }
0x5a: {  	_ =	shalt  }
0x5b: {  	_ =	shalt  }
0x5c: {  	_ =	shalt  }
0x5d: {  	_ =	shalt  }
0x5e: {  	_ =	shalt  }
0x5f: {  	_ =	shalt  }
0x60: {  	_ =	shalt  }
0x61: {  	_ =	shalt  }
0x62: {  	_ =	shalt  }
0x63: {  	_ =	shalt  }
0x64: {  	_ =	shalt  }
0x65: {  	_ =	shalt  }
0x66: {  	_ =	shalt  }
0x67: {  	_ =	shalt  }
0x68: {  	_ =	shalt  }
0x69: {  	_ =	shalt  }
0x6a: {  	_ =	shalt  }
0x6b: {  	_ =	shalt  }
0x6c: {  	_ =	shalt  }
0x6d: {  	_ =	shalt  }
0x6e: {  	_ =	shalt  }
0x6f: {  	_ =	shalt  }
0x70: {  	_ =	shalt  }
0x71: {  	_ =	shalt  }
0x72: {  	_ =	shalt  }
0x73: {  	_ =	shalt  }
0x74: {  	_ =	shalt  }
0x75: {  	_ =	shalt  }
0x76: {  	_ =	shalt  }
0x77: {  	_ =	shalt  }
0x78: {  	_ =	shalt  }
0x79: {  	_ =	shalt  }
0x7a: {  	_ =	shalt  }
0x7b: {  	_ =	shalt  }
0x7c: {  	_ =	shalt  }
0x7d: {  	_ =	shalt  }
0x7e: {  	_ =	shalt  }
0x7f: {  	_ =	shalt  }
0x80: {  	_ =	shalt  }
0x81: {  	_ =	shalt  }
0x82: {  	_ =	shalt  }
0x83: {  	_ =	shalt  }
0x84: {  	_ =	shalt  }
0x85: {  	_ =	shalt  }
0x86: {  	_ =	shalt  }
0x87: {  	_ =	shalt  }
.Lfunc_end0:
.L_simem_size_0:
called_computation_lowered:
.L_overlay_start_0:
0x88: {  	s2 =	sld [smem:$0x3FD9]  }
0x89: {  	s3 =	sld [smem:$0x3FFE];
	_ =	sdelay $0x1  }
0x8a: {  	s1 =	srdreg.scid  }
0x8b: {  	s0 =	sand.u32 $0x1, s1  }
0x8c: {  	s17 =	sshll.u32 s0, $0xA;
	s2 =	sadd.s32 s3, s2  }
0x8d: {  	s2 =	sadd.s32 s2, s17  }
0x8e: {  	[smem:$0x3FBF] =	sst s2  }
0x8f: {  	_ = 	snop  }
0x90: {  	s18 =	sld [smem:$0x3FD0];
	(tm) =	ssettm $0x1  }
0x91: {  	s19 =	sld [smem:$0x3FFB];
	_ =	sdelay $0x3  }
0x92: {  	_ =	strace s19  }
0x93: {  	s2 =	sld [smem:$0x3FFC];
	_ =	sdelay $0x3  }
0x94: {  	_ =	strace s2  }
0x95: {  	s2 =	sld [smem:$0x3FFD];
	_ =	sdelay $0x3  }
0x96: {  	_ =	strace s2  }
0x97: {  	_ =	strace $0x8FFFFFFF  }
0x98: {  	s20 =	sld [smem:$0x3FDB];
	_ =	sdelay $0x1  }
0x99: {  	s4 =	simm.s32 $_scs_section_size  }
0x9a: {  	s5 =	simm.s32 $_size__tile_overlayer_lowered;
	s6 =	simm.s32 $_tile_overlayer_lowered  }
0x9b: {  	s7 =	simm.s32 $0x1BFF;
	s21 =	sshll.u32 s6, $0x1;
	s4 =	sadd.s32 s4, s20  }
0x9c: {  	s22 =	simm.s32 $0x0;
	s5 =	sshll.u32 s5, $0x1;
	s6 =	sadd.s32 s21, s4  }
0x9d: {  	[timem:s22], [sflag:s7] =	dma.local [hbm:s6], s5  }
0x9e: {  	_ =	swait.ge [sflag:s7], s5  }
0x9f: {  	s5 =	ssub.s32 $0x0, s5;
	[sflag:s7] =	ssyncset.done $0x0  }
0xa0: {  	[sflag:s7] =	ssyncadd.s32 s5;
	_ =	sdelay $0x1  }
0xa1: {  	s23 =	simm.s32 $0x1B8B  }
0xa2: {  	_ =	swait.ge [sflag:s23], $0x1  }
0xa3: {  	[sflag:s23] =	ssyncset.done $0x0  }
0xa4: {  	[sflag:s23] =	ssyncadd.s32 $0xFFFFFFFF  }
0xa5: {  	s5 =	sld [smem:$0x0]  }
0xa6: {  	s6 =	sand.u32 $0xFFFFFFFE, s1  }
0xa7: {  	p0 =	sne.s32 s1, s6  }
0xa8: {  	s6 =	sshll.u32 @p0 s6, $0xE  }
0xa9: {  	s6 =	sadd.s32 @p0 $0x11B8D, s6;
	s7 =	sshll.u32 @p0 s5, $0x11  }
0xaa: {  	s6 =	sor.u32 @p0 s7, s6  }
0xab: {  	[sflag:s6] =	ssyncadd.remote.s32 @p0 $0x1;
	_ =	sdelay $0x1  }
0xac: {  	s6 =	simm.s32 @p0 $0x1B8D  }
0xad: {  	_ =	swait.eq @p0 [sflag:s6], $0x1  }
0xae: {  	[sflag:s6] =	ssyncadd.s32 @p0 $0xFFFFFFFF  }
0xaf: {  	s7 =	sshll.u32 @!p0 s1, $0xE  }
0xb0: {  	s7 =	sor.u32 @!p0 $0x4000, s7;
	s6 =	simm.s32 @!p0 $0x1B8D  }
0xb1: {  	s5 =	sshll.u32 @!p0 s5, $0x11;
	s7 =	sadd.s32 @!p0 $0x11B8D, s7;
	_ =	swait.eq @!p0 [sflag:s6], $0x1  }
0xb2: {  	s5 =	sor.u32 @!p0 s5, s7;
	[sflag:s6] =	ssyncadd.s32 @!p0 $0xFFFFFFFF  }
0xb3: {  	s25 =	simm.s32 $0x1B8E;
	s24 =	sld [smem:$0x3FFE];
	[sflag:s5] =	ssyncadd.remote.s32 @!p0 $0x1  }
0xb4: {  	s26 =	simm.s32 $execute0_lowered;
	[smem:$0x3FD2] =	sst s25  }
0xb5: {  	s6 =	sshll.u32 s26, $0x1;
	_ =	strace $0x80000049;
	[dreg:$0x1] =	wrdreg $0xFFFFFFFF  }
0xb6: {  	s28 =	simm.s32 $_size_execute0_lowered;
	s4 =	sadd.s32 s4, s6;
	[dreg:$0x0] =	wrdreg $0x0  }
0xb7: {  	s6 =	sshll.u32 s28, $0x1;
	[dreg:$0x2] =	wrdreg s4  }
0xb8: {  	[dreg:$0x3] =	wrdreg s6  }
0xb9: {  	[dreg:$0x4] =	wrdreg $0xC0  }
0xba: {  	_ =	task [dreg:s22], $0x5FFFF  }
0xbb: {  	[dreg:$0x1] =	wrdreg $0xFFFFFFFF  }
0xbc: {  	[dreg:$0x0] =	wrdreg $0x60  }
0xbd: {  	[dreg:$0x2] =	wrdreg s24  }
0xbe: {  	[dreg:$0x3] =	wrdreg s18  }
0xbf: {  	[dreg:$0x4] =	wrdreg $0x9  }
0xc0: {  	_ =	task.clear_ibuf [dreg:s22], $0x5FFFF;
	_ =	strace $0x90000049  }
0xc1: {  	s29 =	simm.s32 $0x9;
	_ =	strace $0x8000004B  }
0xc2: {  	_ =	swait.ge [sflag:s29], $0x1  }
0xc3: {  	[sflag:s29] =	ssyncadd.s32 $0xFFFFFFFF  }
0xc4: {  	_ =	strace $0x9000004B  }
0xc5: {  	_ =	sfence  }
0xc6: {  	s30 =	sld [smem:$0x0];
	_ =	sdelay $0x2  }
0xc7: {  	s31 =	sshll.u32 s1, $0xD;
	s1 =	sshrl.u32 s1, $0x2  }
0xc8: {  	s4 =	sand.u32 $0x4000, s31;
	s1 =	sadd.s32 s1, s30  }
0xc9: {  	s0 =	sor.u32 s4, s0;
	s1 =	sshll.u32 s1, $0x11  }
0xca: {  	s0 =	sor.u32 s1, s0  }
0xcb: {  	s0 =	sadd.s32 $0x8F2B, s0  }
0xcc: {  	[sflag:s0] =	ssyncadd.remote.s32 $0x1  }
0xcd: {  	_ =	sfence.sel $0xFFFF  }
0xce: {  	[dreg:$0x0] =	wrdreg $0xFFFFFFFF;
	(pc) =	sbr.abs _section_cstart, $3  }
0xcf: {  	[dreg:$0x1] =	wrdreg $0xFFFFFFFF  }
0xd0: {  	_ =	task.clear_ibuf [dreg:s22], $0x2FFFF;
	_ =	strace $0x9FFFFFFF  }
0xd1: {  	(tm) =	ssettm $0x7FFFFFFF  }
tec
execute0_lowered:
.L_overlay_start_1:
0x0: {  	(tag) =	ssettag $0x1  }
0x1: {  	s1 =	srdreg.scid;
	s5 =	rddreg [dreg:$0x0]  }
0x2: {  	s0 =	stileid.u32;
	s2 =	rddreg [dreg:$0x1];
	s3 =	simm.s32 $0x0  }
0x3: {  	s9 =	simm.s32 $0x1280;
	s10 =	simm.s32 $0x1E80;
	s11 =	simm.s32 $0x2A80  }
0x4: {  	s12 =	simm.s32 $0x3680;
	s13 =	simm.s32 $0x4280;
	s14 =	simm.s32 $0x4E80  }
0x5: {  	s15 =	simm.s32 $0x5A80;
	s16 =	simm.s32 $0x6680;
	s17 =	simm.s32 $0x7280  }
0x6: {  	s18 =	simm.s32 $0xE80;
	s19 =	simm.s32 $0x1A80;
	s20 =	simm.s32 $0x2680  }
0x7: {  	s21 =	simm.s32 $0x3280;
	s22 =	simm.s32 $0x3E80;
	s23 =	simm.s32 $0x4A80  }
0x8: {  	s24 =	simm.s32 $0x5680;
	s1 =	sand.u32 $0x1, s1;
	s4 =	smul.u32 $0xC80, s0  }
0x9: {  	s28 =	simm.s32 $0x7A80;
	s29 =	simm.s32 $0x1;
	s6 =	smul.u32 $0x640, s1  }
0xa: {  	s30 =	simm.s32 $0x0;
	s7 =	sshll.u32 s0, $0x1;
	[smem:$0x7FF] =	sst s3  }
0xb: {  	s7 =	sor.u32 s1, s7;
	s1 =	ssub.s32 $0x2, s1;
	s4 =	sadd.s32 s6, s4  }
0xc: {  	s25 =	smul.u32 $0x640, s7;
	s8 =	sshrl.u32 s1, $0x1;
	s4 =	sshrl.u32 s4, $0x3  }
0xd: {  	_ =	strace $0x8000004A;
	s1 =	ssub.s32 s1, s8;
	s26 =	smul.u32 $0x180, s4  }
0xe: {  	s8 =	simm.s32 $0x680;
	s6 =	sshrl.u32 s25, $0x3;
	s25 =	simm.s32 $0x6280  }
0xf: {  	v2 =	vlaneseq.u32;
	s4 =	sadd.s32 $0x875800, s5;
	s6 =	sadd.s32 s6, s5;
	s7 =	sadd.s32 s26, s5  }
0x10: {  	vm0 =	vmmov $0xffff;
	vm1 =	vmmov $0xff;
	v1 =	vshrl.u32 v2, $0x3;
	s5 =	sadd.s32 $0x61BE00, s6;
	s6 =	smax.u32 s1, $0x1;
	s31 =	sadd.s32 $0xD09600, s7  }
0x11: {  	v0 =	vand.u32 $0x7, v2;
	v2 =	vor.u32 $0x8, v2;
	v1 =	vmul.u32 $0x8, v1;
	s26 =	simm.s32 $0x6E80;
	s7 =	simm.s32 $0x2;
	[dreg:$0x3] =	wrdreg s31  }
.LBB2_1:
0x12: {  	[tilespmem:s3], [sflag:$0x2] =	stream.linear.gather [hbm4b:s5+s3], $0x640, $0x38;
	[tilespmem:$0x7E80] =	vst v63  }
0x13: {  	_ =	swait.ge [sflag:s7], $0x640  }
0x14: {  	[sflag:s7] =	ssyncset.done $0x0  }
0x15: {  	s31 =	simm.s32 $0x20;
	s1 =	simm.s32 $0x0;
	[sflag:s7] =	ssyncadd.s32 $0xFFFFF9C0  }
.LBB2_2:
0x16: {  	v3 =	vld [tilespmem:s31+$0xFFFFFFE0];
	_ =	sdelay $0x4  }
0x17: {  	v4 =	vshrl.u32 v3, $0x3  }
0x18: {  	v4 =	vmul.u32 $0x18, v4  }
0x19: {  	v3 =	vand.u32 $0x7, v3  }
0x1a: {  	v3 =	vor.u32 v3, v4  }
0x1b: {  	v4 =	vperm.xlane v3, v0;
	_ =	sdelay $0x1  }
0x1c: {  	v3 =	vperm.xlane v3, v2;
	v4 =	vadd.s32 v1, v4;
	_ =	sdelay $0x1  }
0x1d: {  	v3 =	vadd.s32 v1, v3;
	_ =	sdelay $0x2  }
0x1e: {  	[tilespmem:s8], [sflag:$0x1] =	stream.indirect_vreg.gather [hbm4b:s4+s3], $0x80, v4, vm0, $0xb8;
	[tilespmem:$0x7E80] =	vst v63  }
0x1f: {  	_ = 	snop  }
0x20: {  	[tilespmem:s9], [sflag:$0x1] =	stream.indirect_vreg.gather [hbm4b:s4+s3], $0x80, v3, vm0, $0xb8;
	[tilespmem:$0x7E80] =	vst v63  }
0x21: {  	v3 =	vld [tilespmem:s31+$0xFFFFFFF0];
	_ =	sdelay $0x4  }
0x22: {  	v55 =	vshrl.u32 v3, $0x3  }
0x23: {  	v4 =	vmul.u32 $0x18, v55  }
0x24: {  	v3 =	vand.u32 $0x7, v3  }
0x25: {  	v3 =	vor.u32 v3, v4  }
0x26: {  	v4 =	vperm.xlane v3, v0;
	_ =	sdelay $0x1  }
0x27: {  	v3 =	vperm.xlane v3, v2;
	v4 =	vadd.s32 v1, v4;
	_ =	sdelay $0x1  }
0x28: {  	v3 =	vadd.s32 v1, v3;
	_ =	sdelay $0x2  }
0x29: {  	[tilespmem:s10], [sflag:$0x1] =	stream.indirect_vreg.gather [hbm4b:s4+s3], $0x80, v4, vm0, $0xb8;
	[tilespmem:$0x7E80] =	vst v63  }
0x2a: {  	_ = 	snop  }
0x2b: {  	[tilespmem:s11], [sflag:$0x1] =	stream.indirect_vreg.gather [hbm4b:s4+s3], $0x80, v3, vm0, $0xb8;
	[tilespmem:$0x7E80] =	vst v63  }
0x2c: {  	v3 =	vld [tilespmem:s31+$0x0];
	_ =	sdelay $0x4  }
0x2d: {  	v56 =	vshrl.u32 v3, $0x3  }
0x2e: {  	v4 =	vmul.u32 $0x18, v56  }
0x2f: {  	v3 =	vand.u32 $0x7, v3  }
0x30: {  	v3 =	vor.u32 v3, v4  }
0x31: {  	v4 =	vperm.xlane v3, v0;
	_ =	sdelay $0x1  }
0x32: {  	v3 =	vperm.xlane v3, v2;
	v4 =	vadd.s32 v1, v4;
	_ =	sdelay $0x1  }
0x33: {  	v3 =	vadd.s32 v1, v3;
	_ =	sdelay $0x2  }
0x34: {  	[tilespmem:s12], [sflag:$0x1] =	stream.indirect_vreg.gather [hbm4b:s4+s3], $0x80, v4, vm0, $0xb8;
	[tilespmem:$0x7E80] =	vst v63  }
0x35: {  	_ = 	snop  }
0x36: {  	[tilespmem:s13], [sflag:$0x1] =	stream.indirect_vreg.gather [hbm4b:s4+s3], $0x80, v3, vm0, $0xb8;
	[tilespmem:$0x7E80] =	vst v63  }
0x37: {  	v3 =	vld [tilespmem:s31+$0x10];
	_ =	sdelay $0x4  }
0x38: {  	v57 =	vshrl.u32 v3, $0x3  }
0x39: {  	v4 =	vmul.u32 $0x18, v57  }
0x3a: {  	v3 =	vand.u32 $0x7, v3  }
0x3b: {  	v3 =	vor.u32 v3, v4  }
0x3c: {  	v4 =	vperm.xlane v3, v0;
	_ =	sdelay $0x1  }
0x3d: {  	v3 =	vperm.xlane v3, v2;
	v4 =	vadd.s32 v1, v4;
	_ =	sdelay $0x1  }
0x3e: {  	v3 =	vadd.s32 v1, v3;
	_ =	sdelay $0x2  }
0x3f: {  	[tilespmem:s14], [sflag:$0x1] =	stream.indirect_vreg.gather [hbm4b:s4+s3], $0x80, v4, vm0, $0xb8;
	[tilespmem:$0x7E80] =	vst v63  }
0x40: {  	_ = 	snop  }
0x41: {  	[tilespmem:s15], [sflag:$0x1] =	stream.indirect_vreg.gather [hbm4b:s4+s3], $0x80, v3, vm0, $0xb8;
	[tilespmem:$0x7E80] =	vst v63  }
0x42: {  	v3 =	vld [tilespmem:s31+$0x20];
	_ =	sdelay $0x4  }
0x43: {  	v58 =	vshrl.u32 v3, $0x3  }
0x44: {  	v4 =	vmul.u32 $0x18, v58  }
0x45: {  	v3 =	vand.u32 $0x7, v3  }
0x46: {  	v3 =	vor.u32 v3, v4  }
0x47: {  	v4 =	vperm.xlane v3, v0;
	_ =	sdelay $0x1  }
0x48: {  	v3 =	vperm.xlane v3, v2;
	v4 =	vadd.s32 v1, v4;
	_ =	sdelay $0x1  }
0x49: {  	v3 =	vadd.s32 v1, v3;
	_ =	sdelay $0x2  }
0x4a: {  	[tilespmem:s16], [sflag:$0x1] =	stream.indirect_vreg.gather [hbm4b:s4+s3], $0x80, v4, vm0, $0xb8;
	[tilespmem:$0x7E80] =	vst v63  }
0x4b: {  	_ = 	snop  }
0x4c: {  	[tilespmem:s17], [sflag:$0x1] =	stream.indirect_vreg.gather [hbm4b:s4+s3], $0x80, v3, vm0, $0xb8;
	[tilespmem:$0x7E80] =	vst v63  }
0x4d: {  	v3 =	vld [tilespmem:s31+$0xFFFFFFE0];
	_ =	sdelay $0x4  }
0x4e: {  	v59 =	vperm.xlane v3, v0;
	_ =	sdelay $0x1  }
0x4f: {  	v3 =	vperm.xlane v3, v2;
	v4 =	vadd.s32 v1, v59;
	_ =	sdelay $0x1  }
0x50: {  	v3 =	vadd.s32 v1, v3;
	_ =	sdelay $0x2  }
0x51: {  	[tilespmem:s18], [sflag:$0x1] =	stream.indirect_vreg.gather [hbm4b:s2+s3], $0x80, v4, vm1, $0xb8;
	[tilespmem:$0x7E80] =	vst v63  }
0x52: {  	_ = 	snop  }
0x53: {  	[tilespmem:s19], [sflag:$0x1] =	stream.indirect_vreg.gather [hbm4b:s2+s3], $0x80, v3, vm1, $0xb8;
	[tilespmem:$0x7E80] =	vst v63  }
0x54: {  	v3 =	vld [tilespmem:s31+$0xFFFFFFF0];
	_ =	sdelay $0x4  }
0x55: {  	v60 =	vperm.xlane v3, v0;
	_ =	sdelay $0x1  }
0x56: {  	v3 =	vperm.xlane v3, v2;
	v4 =	vadd.s32 v1, v60;
	_ =	sdelay $0x1  }
0x57: {  	v3 =	vadd.s32 v1, v3;
	_ =	sdelay $0x2  }
0x58: {  	[tilespmem:s20], [sflag:$0x1] =	stream.indirect_vreg.gather [hbm4b:s2+s3], $0x80, v4, vm1, $0xb8;
	[tilespmem:$0x7E80] =	vst v63  }
0x59: {  	_ = 	snop  }
0x5a: {  	[tilespmem:s21], [sflag:$0x1] =	stream.indirect_vreg.gather [hbm4b:s2+s3], $0x80, v3, vm1, $0xb8;
	[tilespmem:$0x7E80] =	vst v63  }
0x5b: {  	v3 =	vld [tilespmem:s31+$0x0];
	_ =	sdelay $0x4  }
0x5c: {  	v61 =	vperm.xlane v3, v0;
	_ =	sdelay $0x1  }
0x5d: {  	v3 =	vperm.xlane v3, v2;
	v4 =	vadd.s32 v1, v61;
	_ =	sdelay $0x1  }
0x5e: {  	v3 =	vadd.s32 v1, v3;
	_ =	sdelay $0x2  }
0x5f: {  	[tilespmem:s22], [sflag:$0x1] =	stream.indirect_vreg.gather [hbm4b:s2+s3], $0x80, v4, vm1, $0xb8;
	[tilespmem:$0x7E80] =	vst v63  }
0x60: {  	_ = 	snop  }
0x61: {  	[tilespmem:s23], [sflag:$0x1] =	stream.indirect_vreg.gather [hbm4b:s2+s3], $0x80, v3, vm1, $0xb8;
	[tilespmem:$0x7E80] =	vst v63  }
0x62: {  	v3 =	vld [tilespmem:s31+$0x10];
	_ =	sdelay $0x4  }
0x63: {  	v62 =	vperm.xlane v3, v0;
	_ =	sdelay $0x1  }
0x64: {  	v3 =	vperm.xlane v3, v2;
	v4 =	vadd.s32 v1, v62;
	_ =	sdelay $0x1  }
0x65: {  	v3 =	vadd.s32 v1, v3;
	_ =	sdelay $0x2  }
0x66: {  	[tilespmem:s24], [sflag:$0x1] =	stream.indirect_vreg.gather [hbm4b:s2+s3], $0x80, v4, vm1, $0xb8;
	[tilespmem:$0x7E80] =	vst v63  }
0x67: {  	_ = 	snop  }
0x68: {  	[tilespmem:s25], [sflag:$0x1] =	stream.indirect_vreg.gather [hbm4b:s2+s3], $0x80, v3, vm1, $0xb8;
	[tilespmem:$0x7E80] =	vst v63  }
0x69: {  	v3 =	vld [tilespmem:s31+$0x20];
	_ =	sdelay $0x4  }
0x6a: {  	v63 =	vperm.xlane v3, v0;
	_ =	sdelay $0x1  }
0x6b: {  	v3 =	vperm.xlane v3, v2;
	v4 =	vadd.s32 v1, v63;
	_ =	sdelay $0x1  }
0x6c: {  	v3 =	vadd.s32 v1, v3;
	_ =	sdelay $0x2  }
0x6d: {  	[tilespmem:s26], [sflag:$0x1] =	stream.indirect_vreg.gather [hbm4b:s2+s3], $0x80, v4, vm1, $0xb8;
	[tilespmem:$0x7E80] =	vst v63  }
0x6e: {  	_ = 	snop  }
0x6f: {  	[tilespmem:s28], [sflag:$0x1] =	stream.indirect_vreg.gather [hbm4b:s2+s3], $0x80, v3, vm1, $0xb8;
	[tilespmem:$0x7E80] =	vst v63  }
0x70: {  	_ =	swait.ge [sflag:s29], $0x5000  }
0x71: {  	[sflag:s29] =	ssyncset.done $0x0  }
0x72: {  	[sflag:s29] =	ssyncadd.s32 $0xFFFFB000  }
0x73: {  	_ =	swait.ge [sflag:s29], $0x2800  }
0x74: {  	p0 =	sne.s32 s1, $0x11D00;
	s0 =	rddreg [dreg:$0x3];
	[sflag:s29] =	ssyncset.done $0x0  }
.Ltmp0:
0x75: {  	[sflag:s29] =	ssyncadd.s32 $0xFFFFD800;
	s0 =	sadd.s32 s1, s0;
	(pc) =	sbr.rel @p0 .LBB2_2-.Ltmp0, $4  }
0x76: {  	[hbm4b:s0+s3] =	stream.linear.scatter [tilespmem:s8], [sflag:$0x2], $0x7800, $0x38;
	[tilespmem:$0x7E80] =	vst v63  }
0x77: {  	_ =	swait.ge [sflag:s7], $0x7800  }
0x78: {  	[sflag:s7] =	ssyncset.done $0x0  }
0x79: {  	s31 =	sadd.s32 $0x50, s31;
	s1 =	sadd.s32 $0xF00, s1;
	[sflag:s7] =	ssyncadd.s32 $0xFFFF8800  }
0x7a: {  	s30 =	sadd.s32 $0x1, s30  }
0x7b: {  	p0 =	sne.s32 s30, s6  }
.Ltmp1:
0x7c: {  	_ = 	snop;
	(pc) =	sbr.rel @p0 .LBB2_1-.Ltmp1, $1  }
0x7d: {  	_ =	sdelay $0x3  }
0x7e: {  	_ =	sfence.sel $0x180000  }
0x7f: {  	[bflag:$0x0] =	sbarrier.arrive $0xFFFF  }
0x80: {  	_ =	strace $0x9000004A  }
0x81: {  	s0 =	stileid.u32;
	[bflag:$0x2] =	sbarrier.arrive $0xFFFF  }
0x82: {  	p0 =	sne.s32 s0, $0x0;
	s0 =	rddreg [dreg:$0x2]  }
0x83: {  	s0 =	sadd.s32 @!p0 $0x100000, s0  }
0x84: {  	[sflag:s0] =	ssyncadd.tile.s32 @!p0 $0x1;
	_ =	shalt  }
.Lfunc_end2:
_tile_overlayer_lowered:
.L_overlay_start_2:
0x85: {  	(tag) =	ssettag $0x2  }
0x86: {  	s0 =	rddreg [dreg:$0x0];
	s2 =	stileid.u32  }
0x87: {  	s1 =	rddreg [dreg:$0x1];
	p0 =	sne.s32 s2, $0x0  }
0x88: {  	s3 =	rddreg [dreg:$0x2];
	[bflag:$0x3] =	sbarrier.arrive $0xFFFF;
	s2 =	simm.s32 @!p0 $0x1C02  }
0x89: {  	[timem:s3], [sflag:s2] =	dma.local @!p0 [hbm:s0], s1  }
0x8a: {  	s0 =	simm.s32 @!p0 $0x2  }
0x8b: {  	_ =	swait.ge @!p0 [sflag:s0], s1  }
0x8c: {  	s1 =	ssub.s32 @!p0 $0x0, s1;
	[sflag:s0] =	ssyncset.done @!p0 $0x0  }
0x8d: {  	[sflag:s0] =	ssyncadd.s32 @!p0 s1  }
0x8e: {  	[bflag:$0x3] =	sbarrier.arrive $0xFFFF  }
0x8f: {  	_ =	shalt  }

// kernel: kernel.8.cloned.1.call-start
scs
__scs_entry_jumppad:
0x0: {  	(pc) =	sbr.rel $0x88, $3  }
0x1: {  	(tag) =	ssettag $0x0;
	lr =	simm.s32 $0x1  }
0x2: {  	[smem:$0x3F98] =	sst lr;
	_ =	strace $0xD0000000  }
0x3: {  	_ = 	snop  }
0x4: {  	_ = 	snop  }
0x5: {  	_ = 	snop  }
0x6: {  	_ = 	snop  }
0x7: {  	_ = 	snop  }
__scs_overlays_trampoline_lowered:
0x8: {  	[smem:$0x3FA7] =	sst s0  }
0x9: {  	[smem:$0x3FA8] =	sst s1  }
0xa: {  	[smem:$0x3FA9] =	sst s2  }
0xb: {  	[smem:$0x3FAA] =	sst s3  }
0xc: {  	[smem:$0x3FAB] =	sst s4  }
0xd: {  	[smem:$0x3FAC] =	sst s5  }
0xe: {  	[smem:$0x3FAD] =	sst s6  }
0xf: {  	[smem:$0x3FAE] =	sst s7  }
0x10: {  	[smem:$0x3FAF] =	sst s8  }
0x11: {  	[smem:$0x3FB0] =	sst s9;
	s0 =	simm.s32 @!p0 $0x0  }
0x12: {  	s1 =	sld [smem:$0x3F96];
	s0 =	simm.s32 @p0 $0x1  }
0x13: {  	[smem:$0x3FB1] =	sst s0;
	s0 =	simm.s32 @!p1 $0x0  }
0x14: {  	s2 =	sld [smem:$0x3F95];
	s0 =	simm.s32 @p1 $0x1  }
0x15: {  	[smem:$0x3FB2] =	sst s0;
	s0 =	simm.s32 @!p2 $0x0  }
0x16: {  	s3 =	sld [smem:$0x3FDB];
	s0 =	simm.s32 @p2 $0x1  }
0x17: {  	s4 =	simm.s32 $0x1BF5;
	[smem:$0x3FB4] =	sst s0  }
0x18: {  	s0 =	sld [smem:$0x3F97];
	_ =	swait.ge [sflag:s4], $0x0  }
0x19: {  	s7 =	sld [smem:$0x3F98]  }
0x1a: {  	s8 =	sadd.s32 $0xFFFFE003, lr  }
0x1b: {  	s9 =	sadd.s32 $0xFFFFFEF7, lr;
	s5 =	simm.s32 $0xFFFFFFFF;
	p2 =	slt.u32 s8, $0xFFFFF086  }
0x1c: {  	p1 =	slt.u32 s9, $0xF7A;
	s5 =	simm.s32 @!p2 $0x0  }
0x1d: {  	s5 =	simm.s32 @p1 $0x1;
	p0 =	seq.s32 s7, s2  }
0x1e: {  	s7 =	smul.u32 @!p0 $0xF7A, s2;
	p2 =	seq.s32 @!p0 s5, $0x0  }
0x1f: {  	s9 =	smul.u32 $0xF7A, s1;
	s8 =	simm.s32 @!p0 $0x1BF5;
	p2 =	por !p2, p0  }
0x20: {  	[sflag:s8] =	ssyncset.s32 @!p0 $0xFFFFF086;
	s6 =	sadd.s32 @!p0 s3, s7;
	s7 =	simm.s32 @!p0 $0x108  }
0x21: {  	s3 =	sadd.s32 s3, s9;
	s6 =	sadd.s32 @!p0 $0x88, s6;
	s7 =	simm.s32 @p2 $0x1082  }
0x22: {  	[simem:s7], [sflag:s8] =	dma.local @!p0 [hbm:s6], $0xF7A  }
0x23: {  	s9 =	sor.u32 $0xD0000000, s2;
	s6 =	simm.s32 $0x108;
	_ =	swait.ge @!p0 [sflag:s8], $0x0  }
0x24: {  	s3 =	sadd.s32 $0x88, s3;
	s6 =	simm.s32 @!p1 $0x1082;
	[sflag:s4] =	ssyncset.s32 $0xFFFFF086  }
0x25: {  	[simem:s6], [sflag:s4] =	dma.local [hbm:s3], $0xF7A  }
0x26: {  	[smem:$0x3F98] =	sst s1;
	(tag) =	ssettag s2;
	_ =	strace s9  }
0x27: {  	s1 =	sld [smem:$0x3FA8]  }
0x28: {  	s2 =	sld [smem:$0x3FA9]  }
0x29: {  	s4 =	sld [smem:$0x3FAB]  }
0x2a: {  	p0 =	seq.s32 s5, $0x0;
	s5 =	sld [smem:$0x3FAC]  }
0x2b: {  	s6 =	sld [smem:$0x3FAD]  }
0x2c: {  	s7 =	sld [smem:$0x3FAE]  }
0x2d: {  	s3 =	simm.s32 $0x108;
	s8 =	sld [smem:$0x3FAF]  }
0x2e: {  	s3 =	simm.s32 @!p0 $0x1082;
	s9 =	sld [smem:$0x3FB0]  }
0x2f: {  	lr =	sadd.s32 s0, s3;
	s0 =	sld [smem:$0x3FA7]  }
0x30: {  	s3 =	sld [smem:$0x3FAA]  }
0x31: {  	[smem:$0x3FB3] =	sst s10  }
0x32: {  	s10 =	sld [smem:$0x3FB1];
	_ =	sdelay $0x3  }
0x33: {  	p0 =	seq.s32 s10, $0x1;
	s10 =	sld [smem:$0x3FB3];
	_ =	sdelay $0x3  }
0x34: {  	[smem:$0x3FB3] =	sst s10  }
0x35: {  	s10 =	sld [smem:$0x3FB2];
	_ =	sdelay $0x3  }
0x36: {  	p1 =	seq.s32 s10, $0x1;
	s10 =	sld [smem:$0x3FB3];
	_ =	sdelay $0x3  }
0x37: {  	[smem:$0x3FB3] =	sst s10  }
0x38: {  	s10 =	sld [smem:$0x3FB4]  }
0x39: {  	_ = 	snop;
	(pc) =	sbr.ind lr, $3  }
0x3a: {  	_ = 	snop  }
0x3b: {  	_ = 	snop  }
0x3c: {  	p2 =	seq.s32 s10, $0x1;
	s10 =	sld [smem:$0x3FB3]  }
0x3d: {  	_ =	shalt  }
0x3e: {  	_ =	shalt  }
0x3f: {  	_ =	shalt  }
0x40: {  	_ =	shalt  }
0x41: {  	_ =	shalt  }
0x42: {  	_ =	shalt  }
0x43: {  	_ =	shalt  }
0x44: {  	_ =	shalt  }
0x45: {  	_ =	shalt  }
0x46: {  	_ =	shalt  }
0x47: {  	_ =	shalt  }
0x48: {  	_ =	shalt  }
0x49: {  	_ =	shalt  }
0x4a: {  	_ =	shalt  }
0x4b: {  	_ =	shalt  }
0x4c: {  	_ =	shalt  }
0x4d: {  	_ =	shalt  }
0x4e: {  	_ =	shalt  }
0x4f: {  	_ =	shalt  }
0x50: {  	_ =	shalt  }
0x51: {  	_ =	shalt  }
0x52: {  	_ =	shalt  }
0x53: {  	_ =	shalt  }
0x54: {  	_ =	shalt  }
0x55: {  	_ =	shalt  }
0x56: {  	_ =	shalt  }
0x57: {  	_ =	shalt  }
0x58: {  	_ =	shalt  }
0x59: {  	_ =	shalt  }
0x5a: {  	_ =	shalt  }
0x5b: {  	_ =	shalt  }
0x5c: {  	_ =	shalt  }
0x5d: {  	_ =	shalt  }
0x5e: {  	_ =	shalt  }
0x5f: {  	_ =	shalt  }
0x60: {  	_ =	shalt  }
0x61: {  	_ =	shalt  }
0x62: {  	_ =	shalt  }
0x63: {  	_ =	shalt  }
0x64: {  	_ =	shalt  }
0x65: {  	_ =	shalt  }
0x66: {  	_ =	shalt  }
0x67: {  	_ =	shalt  }
0x68: {  	_ =	shalt  }
0x69: {  	_ =	shalt  }
0x6a: {  	_ =	shalt  }
0x6b: {  	_ =	shalt  }
0x6c: {  	_ =	shalt  }
0x6d: {  	_ =	shalt  }
0x6e: {  	_ =	shalt  }
0x6f: {  	_ =	shalt  }
0x70: {  	_ =	shalt  }
0x71: {  	_ =	shalt  }
0x72: {  	_ =	shalt  }
0x73: {  	_ =	shalt  }
0x74: {  	_ =	shalt  }
0x75: {  	_ =	shalt  }
0x76: {  	_ =	shalt  }
0x77: {  	_ =	shalt  }
0x78: {  	_ =	shalt  }
0x79: {  	_ =	shalt  }
0x7a: {  	_ =	shalt  }
0x7b: {  	_ =	shalt  }
0x7c: {  	_ =	shalt  }
0x7d: {  	_ =	shalt  }
0x7e: {  	_ =	shalt  }
0x7f: {  	_ =	shalt  }
0x80: {  	_ =	shalt  }
0x81: {  	_ =	shalt  }
0x82: {  	_ =	shalt  }
0x83: {  	_ =	shalt  }
0x84: {  	_ =	shalt  }
0x85: {  	_ =	shalt  }
0x86: {  	_ =	shalt  }
0x87: {  	_ =	shalt  }
.Lfunc_end0:
.L_simem_size_0:
called_computation.1_lowered:
.L_overlay_start_0:
0x88: {  	s2 =	sld [smem:$0x3FD9]  }
0x89: {  	s3 =	sld [smem:$0x3FFE];
	_ =	sdelay $0x1  }
0x8a: {  	s1 =	srdreg.scid  }
0x8b: {  	s0 =	sand.u32 $0x1, s1  }
0x8c: {  	s16 =	sshll.u32 s0, $0xA;
	s2 =	sadd.s32 s3, s2  }
0x8d: {  	s2 =	sadd.s32 s2, s16  }
0x8e: {  	[smem:$0x3FBF] =	sst s2  }
0x8f: {  	_ = 	snop  }
0x90: {  	(tm) =	ssettm $0x1  }
0x91: {  	s17 =	sld [smem:$0x3FFB];
	_ =	sdelay $0x3  }
0x92: {  	_ =	strace s17  }
0x93: {  	s2 =	sld [smem:$0x3FFC];
	_ =	sdelay $0x3  }
0x94: {  	_ =	strace s2  }
0x95: {  	s2 =	sld [smem:$0x3FFD];
	_ =	sdelay $0x3  }
0x96: {  	_ =	strace s2  }
0x97: {  	_ =	strace $0x8FFFFFFF  }
0x98: {  	s18 =	sld [smem:$0x3FDB];
	_ =	sdelay $0x1  }
0x99: {  	s19 =	simm.s32 $_scs_section_size  }
0x9a: {  	s4 =	simm.s32 $_size__tile_overlayer_lowered;
	s5 =	simm.s32 $_tile_overlayer_lowered  }
0x9b: {  	s22 =	simm.s32 $0x1BFF;
	s21 =	sshll.u32 s5, $0x1;
	s2 =	sadd.s32 s19, s18  }
0x9c: {  	s6 =	simm.s32 $0x0;
	s20 =	sshll.u32 s4, $0x1;
	s4 =	sadd.s32 s21, s2  }
0x9d: {  	[timem:s6], [sflag:s22] =	dma.local [hbm:s4], s20  }
0x9e: {  	_ =	swait.ge [sflag:s22], s20  }
0x9f: {  	s3 =	ssub.s32 $0x0, s20;
	[sflag:s22] =	ssyncset.done $0x0  }
0xa0: {  	[sflag:s22] =	ssyncadd.s32 s3;
	_ =	sdelay $0x1  }
0xa1: {  	s23 =	simm.s32 $0x1B8B  }
0xa2: {  	_ =	swait.ge [sflag:s23], $0x1  }
0xa3: {  	[sflag:s23] =	ssyncset.done $0x0  }
0xa4: {  	s25 =	simm.s32 $0x1B8E;
	s24 =	sld [smem:$0x3FFE];
	[sflag:s23] =	ssyncadd.s32 $0xFFFFFFFF  }
0xa5: {  	s26 =	simm.s32 $execute0_lowered;
	[smem:$0x3FD2] =	sst s25  }
0xa6: {  	s4 =	sshll.u32 s26, $0x1;
	_ =	strace $0x80000046;
	[dreg:$0x1] =	wrdreg $0xFFFFFFFF  }
0xa7: {  	s28 =	simm.s32 $_size_execute0_lowered;
	s2 =	sadd.s32 s2, s4;
	[dreg:$0x0] =	wrdreg $0x0  }
0xa8: {  	s4 =	sshll.u32 s28, $0x1;
	[dreg:$0x2] =	wrdreg s2  }
0xa9: {  	[dreg:$0x3] =	wrdreg s4  }
0xaa: {  	[dreg:$0x4] =	wrdreg $0xC0  }
0xab: {  	_ =	task [dreg:s6], $0x5FFFF  }
0xac: {  	[dreg:$0x1] =	wrdreg $0xFFFFFFFF  }
0xad: {  	[dreg:$0x0] =	wrdreg $0x60  }
0xae: {  	[dreg:$0x2] =	wrdreg s24  }
0xaf: {  	[dreg:$0x3] =	wrdreg $0xA  }
0xb0: {  	_ =	task.clear_ibuf [dreg:s6], $0x4FFFF;
	_ =	strace $0x90000046  }
0xb1: {  	s29 =	simm.s32 $0xA;
	_ =	strace $0x80000048  }
0xb2: {  	_ =	swait.ge [sflag:s29], $0x1  }
0xb3: {  	[sflag:s29] =	ssyncadd.s32 $0xFFFFFFFF  }
0xb4: {  	_ =	strace $0x90000048  }
0xb5: {  	_ =	sfence  }
0xb6: {  	s30 =	sld [smem:$0x0];
	_ =	sdelay $0x2  }
0xb7: {  	s31 =	sshll.u32 s1, $0xD;
	s1 =	sshrl.u32 s1, $0x2  }
0xb8: {  	s3 =	sand.u32 $0x4000, s31;
	s1 =	sadd.s32 s1, s30  }
0xb9: {  	s0 =	sor.u32 s3, s0;
	s1 =	sshll.u32 s1, $0x11  }
0xba: {  	s0 =	sor.u32 s1, s0  }
0xbb: {  	s0 =	sadd.s32 $0x8F2B, s0  }
0xbc: {  	[sflag:s0] =	ssyncadd.remote.s32 $0x1  }
0xbd: {  	_ =	sfence.sel $0xFFFF  }
0xbe: {  	[dreg:$0x0] =	wrdreg $0xFFFFFFFF;
	(pc) =	sbr.abs _section_cstart, $3  }
0xbf: {  	[dreg:$0x1] =	wrdreg $0xFFFFFFFF  }
0xc0: {  	_ =	task.clear_ibuf [dreg:s6], $0x2FFFF;
	_ =	strace $0x9FFFFFFF  }
0xc1: {  	(tm) =	ssettm $0x7FFFFFFF  }
tec
execute0_lowered:
.L_overlay_start_1:
0x0: {  	(tag) =	ssettag $0x1  }
0x1: {  	s1 =	srdreg.scid;
	s0 =	stileid.u32  }
0x2: {  	s5 =	rddreg [dreg:$0x0];
	s2 =	simm.s32 $0x0;
	s9 =	simm.s32 $0x1280  }
0x3: {  	s10 =	simm.s32 $0x1E80;
	s11 =	simm.s32 $0x2A80;
	s12 =	simm.s32 $0x3680  }
0x4: {  	s13 =	simm.s32 $0x4280;
	s14 =	simm.s32 $0x4E80;
	s15 =	simm.s32 $0x5A80  }
0x5: {  	s16 =	simm.s32 $0x6680;
	s17 =	simm.s32 $0x7280;
	s18 =	simm.s32 $0xE80  }
0x6: {  	s19 =	simm.s32 $0x1A80;
	s20 =	simm.s32 $0x2680;
	s21 =	simm.s32 $0x3280  }
0x7: {  	s22 =	simm.s32 $0x3E80;
	s23 =	simm.s32 $0x4A80;
	s24 =	simm.s32 $0x5680  }
0x8: {  	s25 =	simm.s32 $0x6280;
	s1 =	sand.u32 $0x1, s1;
	s3 =	smul.u32 $0xC80, s0  }
0x9: {  	s26 =	simm.s32 $0x6E80;
	s28 =	simm.s32 $0x7A80;
	s4 =	smul.u32 $0x640, s1  }
0xa: {  	s29 =	simm.s32 $0x1;
	s6 =	sshll.u32 s0, $0x1;
	[smem:$0x7FF] =	sst s2  }
0xb: {  	s6 =	sor.u32 s1, s6;
	s1 =	ssub.s32 $0x2, s1;
	s3 =	sadd.s32 s4, s3  }
0xc: {  	s6 =	smul.u32 $0x640, s6;
	s8 =	sshrl.u32 s1, $0x1;
	s4 =	sshrl.u32 s3, $0x3  }
0xd: {  	_ =	strace $0x80000047;
	s1 =	ssub.s32 s1, s8;
	s7 =	smul.u32 $0x180, s4  }
0xe: {  	s8 =	simm.s32 $0x680;
	s3 =	sadd.s32 $0x1600, s5;
	s6 =	sshrl.u32 s6, $0x3  }
0xf: {  	v2 =	vlaneseq.u32;
	s4 =	sadd.s32 $0x495400, s5;
	s6 =	sadd.s32 s6, s5;
	s7 =	sadd.s32 s7, s5  }
0x10: {  	vm0 =	vmmov $0xffff;
	vm1 =	vmmov $0xff;
	s30 =	simm.s32 $0x0;
	v1 =	vshrl.u32 v2, $0x3;
	s5 =	sadd.s32 $0x61BE00, s6;
	s31 =	sadd.s32 $0x61D800, s7  }
0x11: {  	v0 =	vand.u32 $0x7, v2;
	v2 =	vor.u32 $0x8, v2;
	v1 =	vmul.u32 $0x8, v1;
	s6 =	smax.u32 s1, $0x1;
	s7 =	simm.s32 $0x2;
	[dreg:$0x2] =	wrdreg s31  }
.LBB2_1:
0x12: {  	[tilespmem:s2], [sflag:$0x2] =	stream.linear.gather [hbm4b:s5+s2], $0x640, $0x38;
	[tilespmem:$0x7E80] =	vst v63  }
0x13: {  	_ =	swait.ge [sflag:s7], $0x640  }
0x14: {  	[sflag:s7] =	ssyncset.done $0x0  }
0x15: {  	s31 =	simm.s32 $0x20;
	s1 =	simm.s32 $0x0;
	[sflag:s7] =	ssyncadd.s32 $0xFFFFF9C0  }
.LBB2_2:
0x16: {  	v3 =	vld [tilespmem:s31+$0xFFFFFFE0];
	_ =	sdelay $0x4  }
0x17: {  	v4 =	vshrl.u32 v3, $0x3  }
0x18: {  	v4 =	vmul.u32 $0x18, v4  }
0x19: {  	v3 =	vand.u32 $0x7, v3  }
0x1a: {  	v3 =	vor.u32 v3, v4  }
0x1b: {  	v4 =	vperm.xlane v3, v0;
	_ =	sdelay $0x1  }
0x1c: {  	v3 =	vperm.xlane v3, v2;
	v4 =	vadd.s32 v1, v4;
	_ =	sdelay $0x1  }
0x1d: {  	v3 =	vadd.s32 v1, v3;
	_ =	sdelay $0x2  }
0x1e: {  	[tilespmem:s8], [sflag:$0x1] =	stream.indirect_vreg.gather [hbm4b:s3+s2], $0x80, v4, vm0, $0xb8;
	[tilespmem:$0x7E80] =	vst v63  }
0x1f: {  	_ = 	snop  }
0x20: {  	[tilespmem:s9], [sflag:$0x1] =	stream.indirect_vreg.gather [hbm4b:s3+s2], $0x80, v3, vm0, $0xb8;
	[tilespmem:$0x7E80] =	vst v63  }
0x21: {  	v3 =	vld [tilespmem:s31+$0xFFFFFFF0];
	_ =	sdelay $0x4  }
0x22: {  	v55 =	vshrl.u32 v3, $0x3  }
0x23: {  	v4 =	vmul.u32 $0x18, v55  }
0x24: {  	v3 =	vand.u32 $0x7, v3  }
0x25: {  	v3 =	vor.u32 v3, v4  }
0x26: {  	v4 =	vperm.xlane v3, v0;
	_ =	sdelay $0x1  }
0x27: {  	v3 =	vperm.xlane v3, v2;
	v4 =	vadd.s32 v1, v4;
	_ =	sdelay $0x1  }
0x28: {  	v3 =	vadd.s32 v1, v3;
	_ =	sdelay $0x2  }
0x29: {  	[tilespmem:s10], [sflag:$0x1] =	stream.indirect_vreg.gather [hbm4b:s3+s2], $0x80, v4, vm0, $0xb8;
	[tilespmem:$0x7E80] =	vst v63  }
0x2a: {  	_ = 	snop  }
0x2b: {  	[tilespmem:s11], [sflag:$0x1] =	stream.indirect_vreg.gather [hbm4b:s3+s2], $0x80, v3, vm0, $0xb8;
	[tilespmem:$0x7E80] =	vst v63  }
0x2c: {  	v3 =	vld [tilespmem:s31+$0x0];
	_ =	sdelay $0x4  }
0x2d: {  	v56 =	vshrl.u32 v3, $0x3  }
0x2e: {  	v4 =	vmul.u32 $0x18, v56  }
0x2f: {  	v3 =	vand.u32 $0x7, v3  }
0x30: {  	v3 =	vor.u32 v3, v4  }
0x31: {  	v4 =	vperm.xlane v3, v0;
	_ =	sdelay $0x1  }
0x32: {  	v3 =	vperm.xlane v3, v2;
	v4 =	vadd.s32 v1, v4;
	_ =	sdelay $0x1  }
0x33: {  	v3 =	vadd.s32 v1, v3;
	_ =	sdelay $0x2  }
0x34: {  	[tilespmem:s12], [sflag:$0x1] =	stream.indirect_vreg.gather [hbm4b:s3+s2], $0x80, v4, vm0, $0xb8;
	[tilespmem:$0x7E80] =	vst v63  }
0x35: {  	_ = 	snop  }
0x36: {  	[tilespmem:s13], [sflag:$0x1] =	stream.indirect_vreg.gather [hbm4b:s3+s2], $0x80, v3, vm0, $0xb8;
	[tilespmem:$0x7E80] =	vst v63  }
0x37: {  	v3 =	vld [tilespmem:s31+$0x10];
	_ =	sdelay $0x4  }
0x38: {  	v57 =	vshrl.u32 v3, $0x3  }
0x39: {  	v4 =	vmul.u32 $0x18, v57  }
0x3a: {  	v3 =	vand.u32 $0x7, v3  }
0x3b: {  	v3 =	vor.u32 v3, v4  }
0x3c: {  	v4 =	vperm.xlane v3, v0;
	_ =	sdelay $0x1  }
0x3d: {  	v3 =	vperm.xlane v3, v2;
	v4 =	vadd.s32 v1, v4;
	_ =	sdelay $0x1  }
0x3e: {  	v3 =	vadd.s32 v1, v3;
	_ =	sdelay $0x2  }
0x3f: {  	[tilespmem:s14], [sflag:$0x1] =	stream.indirect_vreg.gather [hbm4b:s3+s2], $0x80, v4, vm0, $0xb8;
	[tilespmem:$0x7E80] =	vst v63  }
0x40: {  	_ = 	snop  }
0x41: {  	[tilespmem:s15], [sflag:$0x1] =	stream.indirect_vreg.gather [hbm4b:s3+s2], $0x80, v3, vm0, $0xb8;
	[tilespmem:$0x7E80] =	vst v63  }
0x42: {  	v3 =	vld [tilespmem:s31+$0x20];
	_ =	sdelay $0x4  }
0x43: {  	v58 =	vshrl.u32 v3, $0x3  }
0x44: {  	v4 =	vmul.u32 $0x18, v58  }
0x45: {  	v3 =	vand.u32 $0x7, v3  }
0x46: {  	v3 =	vor.u32 v3, v4  }
0x47: {  	v4 =	vperm.xlane v3, v0;
	_ =	sdelay $0x1  }
0x48: {  	v3 =	vperm.xlane v3, v2;
	v4 =	vadd.s32 v1, v4;
	_ =	sdelay $0x1  }
0x49: {  	v3 =	vadd.s32 v1, v3;
	_ =	sdelay $0x2  }
0x4a: {  	[tilespmem:s16], [sflag:$0x1] =	stream.indirect_vreg.gather [hbm4b:s3+s2], $0x80, v4, vm0, $0xb8;
	[tilespmem:$0x7E80] =	vst v63  }
0x4b: {  	_ = 	snop  }
0x4c: {  	[tilespmem:s17], [sflag:$0x1] =	stream.indirect_vreg.gather [hbm4b:s3+s2], $0x80, v3, vm0, $0xb8;
	[tilespmem:$0x7E80] =	vst v63  }
0x4d: {  	v3 =	vld [tilespmem:s31+$0xFFFFFFE0];
	_ =	sdelay $0x4  }
0x4e: {  	v59 =	vperm.xlane v3, v0;
	_ =	sdelay $0x1  }
0x4f: {  	v3 =	vperm.xlane v3, v2;
	v4 =	vadd.s32 v1, v59;
	_ =	sdelay $0x1  }
0x50: {  	v3 =	vadd.s32 v1, v3;
	_ =	sdelay $0x2  }
0x51: {  	[tilespmem:s18], [sflag:$0x1] =	stream.indirect_vreg.gather [hbm4b:s4+s2], $0x80, v4, vm1, $0xb8;
	[tilespmem:$0x7E80] =	vst v63  }
0x52: {  	_ = 	snop  }
0x53: {  	[tilespmem:s19], [sflag:$0x1] =	stream.indirect_vreg.gather [hbm4b:s4+s2], $0x80, v3, vm1, $0xb8;
	[tilespmem:$0x7E80] =	vst v63  }
0x54: {  	v3 =	vld [tilespmem:s31+$0xFFFFFFF0];
	_ =	sdelay $0x4  }
0x55: {  	v60 =	vperm.xlane v3, v0;
	_ =	sdelay $0x1  }
0x56: {  	v3 =	vperm.xlane v3, v2;
	v4 =	vadd.s32 v1, v60;
	_ =	sdelay $0x1  }
0x57: {  	v3 =	vadd.s32 v1, v3;
	_ =	sdelay $0x2  }
0x58: {  	[tilespmem:s20], [sflag:$0x1] =	stream.indirect_vreg.gather [hbm4b:s4+s2], $0x80, v4, vm1, $0xb8;
	[tilespmem:$0x7E80] =	vst v63  }
0x59: {  	_ = 	snop  }
0x5a: {  	[tilespmem:s21], [sflag:$0x1] =	stream.indirect_vreg.gather [hbm4b:s4+s2], $0x80, v3, vm1, $0xb8;
	[tilespmem:$0x7E80] =	vst v63  }
0x5b: {  	v3 =	vld [tilespmem:s31+$0x0];
	_ =	sdelay $0x4  }
0x5c: {  	v61 =	vperm.xlane v3, v0;
	_ =	sdelay $0x1  }
0x5d: {  	v3 =	vperm.xlane v3, v2;
	v4 =	vadd.s32 v1, v61;
	_ =	sdelay $0x1  }
0x5e: {  	v3 =	vadd.s32 v1, v3;
	_ =	sdelay $0x2  }
0x5f: {  	[tilespmem:s22], [sflag:$0x1] =	stream.indirect_vreg.gather [hbm4b:s4+s2], $0x80, v4, vm1, $0xb8;
	[tilespmem:$0x7E80] =	vst v63  }
0x60: {  	_ = 	snop  }
0x61: {  	[tilespmem:s23], [sflag:$0x1] =	stream.indirect_vreg.gather [hbm4b:s4+s2], $0x80, v3, vm1, $0xb8;
	[tilespmem:$0x7E80] =	vst v63  }
0x62: {  	v3 =	vld [tilespmem:s31+$0x10];
	_ =	sdelay $0x4  }
0x63: {  	v62 =	vperm.xlane v3, v0;
	_ =	sdelay $0x1  }
0x64: {  	v3 =	vperm.xlane v3, v2;
	v4 =	vadd.s32 v1, v62;
	_ =	sdelay $0x1  }
0x65: {  	v3 =	vadd.s32 v1, v3;
	_ =	sdelay $0x2  }
0x66: {  	[tilespmem:s24], [sflag:$0x1] =	stream.indirect_vreg.gather [hbm4b:s4+s2], $0x80, v4, vm1, $0xb8;
	[tilespmem:$0x7E80] =	vst v63  }
0x67: {  	_ = 	snop  }
0x68: {  	[tilespmem:s25], [sflag:$0x1] =	stream.indirect_vreg.gather [hbm4b:s4+s2], $0x80, v3, vm1, $0xb8;
	[tilespmem:$0x7E80] =	vst v63  }
0x69: {  	v3 =	vld [tilespmem:s31+$0x20];
	_ =	sdelay $0x4  }
0x6a: {  	v63 =	vperm.xlane v3, v0;
	_ =	sdelay $0x1  }
0x6b: {  	v3 =	vperm.xlane v3, v2;
	v4 =	vadd.s32 v1, v63;
	_ =	sdelay $0x1  }
0x6c: {  	v3 =	vadd.s32 v1, v3;
	_ =	sdelay $0x2  }
0x6d: {  	[tilespmem:s26], [sflag:$0x1] =	stream.indirect_vreg.gather [hbm4b:s4+s2], $0x80, v4, vm1, $0xb8;
	[tilespmem:$0x7E80] =	vst v63  }
0x6e: {  	_ = 	snop  }
0x6f: {  	[tilespmem:s28], [sflag:$0x1] =	stream.indirect_vreg.gather [hbm4b:s4+s2], $0x80, v3, vm1, $0xb8;
	[tilespmem:$0x7E80] =	vst v63  }
0x70: {  	_ =	swait.ge [sflag:s29], $0x5000  }
0x71: {  	[sflag:s29] =	ssyncset.done $0x0  }
0x72: {  	[sflag:s29] =	ssyncadd.s32 $0xFFFFB000  }
0x73: {  	_ =	swait.ge [sflag:s29], $0x2800  }
0x74: {  	p0 =	sne.s32 s1, $0x11D00;
	s0 =	rddreg [dreg:$0x2];
	[sflag:s29] =	ssyncset.done $0x0  }
.Ltmp0:
0x75: {  	[sflag:s29] =	ssyncadd.s32 $0xFFFFD800;
	s0 =	sadd.s32 s1, s0;
	(pc) =	sbr.rel @p0 .LBB2_2-.Ltmp0, $4  }
0x76: {  	[hbm4b:s0+s2] =	stream.linear.scatter [tilespmem:s8], [sflag:$0x2], $0x7800, $0x38;
	[tilespmem:$0x7E80] =	vst v63  }
0x77: {  	_ =	swait.ge [sflag:s7], $0x7800  }
0x78: {  	[sflag:s7] =	ssyncset.done $0x0  }
0x79: {  	s31 =	sadd.s32 $0x50, s31;
	s1 =	sadd.s32 $0xF00, s1;
	[sflag:s7] =	ssyncadd.s32 $0xFFFF8800  }
0x7a: {  	s30 =	sadd.s32 $0x1, s30  }
0x7b: {  	p0 =	sne.s32 s30, s6  }
.Ltmp1:
0x7c: {  	_ = 	snop;
	(pc) =	sbr.rel @p0 .LBB2_1-.Ltmp1, $1  }
0x7d: {  	_ =	sdelay $0x3  }
0x7e: {  	_ =	sfence.sel $0x180000  }
0x7f: {  	[bflag:$0x0] =	sbarrier.arrive $0xFFFF  }
0x80: {  	_ =	strace $0x90000047  }
0x81: {  	s0 =	stileid.u32;
	[bflag:$0x2] =	sbarrier.arrive $0xFFFF  }
0x82: {  	p0 =	sne.s32 s0, $0x0;
	s0 =	rddreg [dreg:$0x1]  }
0x83: {  	s0 =	sadd.s32 @!p0 $0x100000, s0  }
0x84: {  	[sflag:s0] =	ssyncadd.tile.s32 @!p0 $0x1;
	_ =	shalt  }
.Lfunc_end2:
_tile_overlayer_lowered:
.L_overlay_start_2:
0x85: {  	(tag) =	ssettag $0x2  }
0x86: {  	s0 =	rddreg [dreg:$0x0];
	s2 =	stileid.u32  }
0x87: {  	s1 =	rddreg [dreg:$0x1];
	p0 =	sne.s32 s2, $0x0  }
0x88: {  	s3 =	rddreg [dreg:$0x2];
	[bflag:$0x3] =	sbarrier.arrive $0xFFFF;
	s2 =	simm.s32 @!p0 $0x1C02  }
0x89: {  	[timem:s3], [sflag:s2] =	dma.local @!p0 [hbm:s0], s1  }
0x8a: {  	s0 =	simm.s32 @!p0 $0x2  }
0x8b: {  	_ =	swait.ge @!p0 [sflag:s0], s1  }
0x8c: {  	s1 =	ssub.s32 @!p0 $0x0, s1;
	[sflag:s0] =	ssyncset.done @!p0 $0x0  }
0x8d: {  	[sflag:s0] =	ssyncadd.s32 @!p0 s1  }
0x8e: {  	[bflag:$0x3] =	sbarrier.arrive $0xFFFF  }
0x8f: {  	_ =	shalt  }

</sc_bundles>
